<compile_context>
chip_gen: v7x
topology: tpu7x:2x2x1
jax: 0.10.2.dev20260603
libtpu: 0.0.44.dev20260713+nightly
codegen_flags: <defaults>
</compile_context>

<pallas_src>
import functools

import jax
import jax.numpy as jnp
from jax import lax
from jax.experimental import pallas as pl
from jax.experimental.pallas import tpu as pltpu
from jax.experimental.pallas import tpu_sc as plsc

N = 5000
D = 128
E = 100000
NPAD = 5120
NC = 2
NS = 16
NW = NC * NS
EP = 102400
TILE_E = EP // NW
GROUPS = TILE_E // 128
STRIPE = 32
NBLK = NPAD // 128
DEG_PER_SUB = NPAD // NS


def _sc_segment_sums(tables, srcs, dsts, zrow, zdeg, ones3):
    mesh = plsc.VectorSubcoreMesh(core_axis_name="c", subcore_axis_name="s")

    def body(tab_hbm, srcs_hbm, dsts_hbm,
             zrow_hbm, zdeg_hbm, ones3_hbm,
             s_out, deg_out,
             s_sh, deg_sh, idx_s, idx_d, rows0, rows1, ones_v,
             sem0, sem1, semd):
        cid = lax.axis_index("c")
        sid = lax.axis_index("s")
        wid = sid * NC + cid

        pltpu.sync_copy(zdeg_hbm,
                        deg_sh.at[pl.ds(sid * DEG_PER_SUB, DEG_PER_SUB)])

        def relation(r, carry):
            for j in range(3):
                blk = sid + NS * j

                @pl.when(blk < NBLK)
                def _(blk=blk):
                    pltpu.sync_copy(zrow_hbm, s_sh.at[pl.ds(blk * 128, 128)])
            plsc.subcore_barrier()

            pltpu.sync_copy(ones3_hbm.at[r], ones_v)
            row0 = (r * NW + wid) * STRIPE
            pltpu.sync_copy(srcs_hbm.at[pl.ds(row0, STRIPE)], idx_s)
            pltpu.sync_copy(dsts_hbm.at[pl.ds(row0, STRIPE)], idx_d)

            pltpu.async_copy(tab_hbm.at[idx_s.at[0]], rows0, sem0)

            def step(i, c):
                g0 = 2 * i
                pltpu.make_async_copy(tab_hbm.at[idx_s.at[g0]], rows0,
                                      sem0).wait()
                pltpu.async_copy(tab_hbm.at[idx_s.at[g0 + 1]], rows1, sem1)
                pltpu.sync_copy(rows0, s_sh.at[idx_d.at[g0]], add=True)

                pltpu.make_async_copy(tab_hbm.at[idx_s.at[g0 + 1]], rows1,
                                      sem1).wait()
                pltpu.async_copy(tab_hbm.at[idx_s.at[g0 + 2]], rows0, sem0)
                pltpu.sync_copy(rows1, s_sh.at[idx_d.at[g0 + 1]], add=True)

                return c

            lax.fori_loop(0, (GROUPS - 1) // 2, step, 0)
            last = GROUPS - 1
            pltpu.make_async_copy(tab_hbm.at[idx_s.at[last]], rows0,
                                  sem0).wait()
            pltpu.sync_copy(rows0, s_sh.at[idx_d.at[last]], add=True)
            plsc.subcore_barrier()

            for j in range(3):
                blk = sid + NS * j

                @pl.when(blk < NBLK)
                def _(blk=blk):
                    pltpu.sync_copy(s_sh.at[pl.ds(blk * 128, 128)],
                                    s_out.at[cid, r].at[pl.ds(blk * 128, 128)])
            plsc.subcore_barrier()
            return carry

        lax.fori_loop(0, 3, relation, 0)

        doff = sid * DEG_PER_SUB
        pltpu.sync_copy(deg_sh.at[pl.ds(doff, DEG_PER_SUB)],
                        deg_out.at[cid].at[pl.ds(doff, DEG_PER_SUB)])

    kern = pl.kernel(
        body,
        out_type=(
            jax.ShapeDtypeStruct((NC, 3, NPAD, D), jnp.float32),
            jax.ShapeDtypeStruct((NC, NPAD, 8), jnp.float32),
        ),
        mesh=mesh,
        scratch_types=[
            pltpu.VMEM_SHARED((NPAD, D), jnp.float32),
            pltpu.VMEM_SHARED((NPAD, 8), jnp.float32),
            pltpu.VMEM((STRIPE, 128), jnp.int32),
            pltpu.VMEM((STRIPE, 128), jnp.int32),
            pltpu.VMEM((128, D), jnp.float32),
            pltpu.VMEM((128, D), jnp.float32),
            pltpu.VMEM((128, 8), jnp.float32),
            pltpu.SemaphoreType.DMA,
            pltpu.SemaphoreType.DMA,
            pltpu.SemaphoreType.DMA,
        ],
    )
    return kern(tables, srcs, dsts, zrow, zdeg, ones3)


def _tc_body(s_ref, deg_ref, wu_ref, wi_ref, bu_ref, bi_ref, basis_ref,
             hb_ref, coeff_ref, outu_ref, outi_ref):
    f32 = jnp.float32
    hi = jax.lax.Precision.HIGHEST

    def mm(a, b):
        return jax.lax.dot(a, b, precision=hi, preferred_element_type=f32)

    s0 = s_ref[0, 0] + s_ref[1, 0]
    s1 = s_ref[0, 1] + s_ref[1, 1]
    s2 = s_ref[0, 2] + s_ref[1, 2]
    deg = deg_ref[0] + deg_ref[1]

    b0 = basis_ref[0]
    b1 = basis_ref[1]
    w0 = coeff_ref[0, 0] * b0 + coeff_ref[0, 1] * b1
    w1 = coeff_ref[1, 0] * b0 + coeff_ref[1, 1] * b1
    w2 = coeff_ref[2, 0] * b0 + coeff_ref[2, 1] * b1
    m0 = mm(wu_ref[...], w0)
    m1 = mm(wi_ref[...], w1)
    m2 = mm(wu_ref[...], w2)
    b0v = mm(bu_ref[...], w0)
    b1v = mm(bi_ref[...], w1)
    b2v = mm(bu_ref[...], w2)

    d0 = deg[:, 0:1]
    d1 = deg[:, 1:2]
    d2 = deg[:, 2:3]
    agg_i = (mm(s0, m0) + d0 * b0v) / jnp.maximum(d0, 1.0)
    agg_u = ((mm(s1, m1) + d1 * b1v) / jnp.maximum(d1, 1.0)
             + (mm(s2, m2) + d2 * b2v) / jnp.maximum(d2, 1.0))
    hb = hb_ref[...]
    outi_ref[...] = jnp.maximum(agg_i + hb, 0.0)
    outu_ref[...] = jnp.maximum(agg_u + hb, 0.0)


def _tc_combine(s_part, deg_part, wu, wi, bu, bi, basis, hb, coeff):
    blk = 640
    grid = NPAD // blk
    full = lambda *_: (0, 0)
    outu, outi = pl.pallas_call(
        _tc_body,
        grid=(grid,),
        in_specs=[
            pl.BlockSpec((NC, 3, blk, D), lambda i: (0, 0, i, 0)),
            pl.BlockSpec((NC, blk, 8), lambda i: (0, i, 0)),
            pl.BlockSpec((D, D), full),
            pl.BlockSpec((D, D), full),
            pl.BlockSpec((1, D), full),
            pl.BlockSpec((1, D), full),
            pl.BlockSpec((2, D, D), lambda i: (0, 0, 0)),
            pl.BlockSpec((1, D), full),
            pl.BlockSpec(memory_space=pltpu.SMEM),
        ],
        out_specs=[
            pl.BlockSpec((blk, D), lambda i: (i, 0)),
            pl.BlockSpec((blk, D), lambda i: (i, 0)),
        ],
        out_shape=[
            jax.ShapeDtypeStruct((NPAD, D), jnp.float32),
            jax.ShapeDtypeStruct((NPAD, D), jnp.float32),
        ],
    )(s_part, deg_part, wu, wi, bu, bi, basis, hb, coeff)
    return outu, outi


@jax.jit
def kernel(x_user, x_item, edge_r0, edge_r1, edge_r2,
           W_emb_user, b_emb_user, W_emb_item, b_emb_item,
           basis, coeff, h_bias):
    pad = EP - E
    pad_src = jnp.zeros((pad,), jnp.int32)

    def prep(edge, roff):
        src = jnp.concatenate([edge[0] + roff * N, pad_src])
        dst = jnp.concatenate([edge[1], jnp.full((pad,), N, jnp.int32)])
        return src, dst

    s0, d0 = prep(edge_r0, 0)
    s1, d1 = prep(edge_r1, 1)
    s2, d2 = prep(edge_r2, 2)

    def stripes(a0, a1, a2):
        a = jnp.stack([a0, a1, a2]).reshape(3, NW, GROUPS, 128)
        a = jnp.pad(a, ((0, 0), (0, 0), (0, STRIPE - GROUPS), (0, 0)))
        return a.reshape(3 * NW * STRIPE, 128)

    srcs = stripes(s0, s1, s2)
    dsts = stripes(d0, d1, d2)

    zrow = jnp.zeros((128, D), jnp.float32)
    zdeg = jnp.zeros((DEG_PER_SUB, 8), jnp.float32)
    ones3 = jnp.zeros((3, 128, 8), jnp.float32)
    for r in range(3):
        ones3 = ones3.at[r, :, r].set(1.0)

    tables = jnp.concatenate([x_user, x_item, x_user], axis=0)
    s_part, deg_part = _sc_segment_sums(
        tables, srcs, dsts, zrow, zdeg, ones3)

    outu, outi = _tc_combine(
        s_part, deg_part, W_emb_user, W_emb_item,
        b_emb_user.reshape(1, D), b_emb_item.reshape(1, D),
        basis, h_bias.reshape(1, D), coeff)

    return jnp.concatenate([outu[:N], outi[:N]], axis=0)

# --- scband reference (transcript-rebuilt; emitter-appended) ---
"""Pipeline reference for scband-encoder-rel-graph-conv-hetero-29119878267062 (READ-ONLY COPY).

The authoritative reference and input builder live on the scoring server;
editing this copy changes nothing except your own understanding.
"""

import jax, jax.numpy as jnp
import numpy as np

N_USER = 5000
N_ITEM = 5000
D = 128
E = 100000
NUM_BASES = 2
NUM_REL = 3


def setup_inputs(seed: int = 0) -> dict:
    key = jax.random.key(seed)
    ks = jax.random.split(key, 12)
    x_user = jax.random.normal(ks[0], (N_USER, D), dtype=jnp.float32)
    x_item = jax.random.normal(ks[1], (N_ITEM, D), dtype=jnp.float32)
    edge_r0 = jax.random.randint(ks[2], (2, E), 0, N_ITEM, dtype=jnp.int32)  # user -> item
    edge_r1 = jax.random.randint(ks[3], (2, E), 0, N_USER, dtype=jnp.int32)  # item -> user
    edge_r2 = jax.random.randint(ks[4], (2, E), 0, N_USER, dtype=jnp.int32)  # user -> user
    # EmbeddingLayer: one Linear(in_size, h_dim) per ntype
    W_emb_user = jax.random.normal(ks[5], (D, D), dtype=jnp.float32) * 0.05
    b_emb_user = jnp.zeros((D,), dtype=jnp.float32)
    W_emb_item = jax.random.normal(ks[6], (D, D), dtype=jnp.float32) * 0.05
    b_emb_item = jnp.zeros((D,), dtype=jnp.float32)
    # Basis-decomposed relation weights: W_r = sum_b coeff[r,b] * basis[b]
    basis = jax.random.normal(ks[7], (NUM_BASES, D, D), dtype=jnp.float32) * 0.05
    coeff = jax.random.normal(ks[8], (NUM_REL, NUM_BASES), dtype=jnp.float32)
    h_bias = jnp.zeros((D,), dtype=jnp.float32)
    return {
        "x_user": x_user, "x_item": x_item,
        "edge_r0": edge_r0, "edge_r1": edge_r1, "edge_r2": edge_r2,
        "W_emb_user": W_emb_user, "b_emb_user": b_emb_user,
        "W_emb_item": W_emb_item, "b_emb_item": b_emb_item,
        "basis": basis, "coeff": coeff, "h_bias": h_bias,
    }


def _segment_mean(msgs, dst, num_segments):
    s = jax.ops.segment_sum(msgs, dst, num_segments=num_segments)
    deg = jax.ops.segment_sum(jnp.ones((dst.shape[0],), msgs.dtype), dst, num_segments=num_segments)
    return s / jnp.clip(deg, 1.0, None)[:, None]


def reference(x_user, x_item, edge_r0, edge_r1, edge_r2,
              W_emb_user, b_emb_user, W_emb_item, b_emb_item,
              basis, coeff, h_bias):
    # EmbeddingLayer: per-ntype linear projection of input features
    h_u = x_user @ W_emb_user + b_emb_user
    h_i = x_item @ W_emb_item + b_emb_item
    # RelGraphConvHetero with basis regularizer
    W = jnp.einsum('rb,bio->rio', coeff, basis)  # [NUM_REL, D, D]
    # relation r0: user -> item (gather src user feats, project, mean-aggregate at dst item)
    m0 = jnp.take(h_u, edge_r0[0], axis=0) @ W[0]
    agg_item = _segment_mean(m0, edge_r0[1], N_ITEM)
    # relation r1: item -> user
    m1 = jnp.take(h_i, edge_r1[0], axis=0) @ W[1]
    agg_user_1 = _segment_mean(m1, edge_r1[1], N_USER)
    # relation r2: user -> user
    m2 = jnp.take(h_u, edge_r2[0], axis=0) @ W[2]
    agg_user_2 = _segment_mean(m2, edge_r2[1], N_USER)
    # HeteroGraphConv aggregate='sum' across relations, bias, ReLU activation
    out_u = jax.nn.relu(agg_user_1 + agg_user_2 + h_bias)
    out_i = jax.nn.relu(agg_item + h_bias)
    return jnp.concatenate([out_u, out_i], axis=0)

if __name__ == "__main__":
    import jax
    _d = setup_inputs()
    print(jax.jit(kernel)(*tuple(_d.values())))

</pallas_src>

<mosaic_0001>
#map = affine_map<(d0, d1) -> (0, 0)>
#map1 = affine_map<(d0, d1) -> (0, 0, 0)>
#map2 = affine_map<(d0, d1) -> (0, 0, 0, 0)>
module attributes {stable_mosaic.version = 14 : i64} {
  func.func @body(%arg0: i32, %arg1: i32, %arg2: memref<15000x128xf32, #tpu.memory_space<hbm>>, %arg3: memref<3072x128xi32, #tpu.memory_space<hbm>>, %arg4: memref<3072x128xi32, #tpu.memory_space<hbm>>, %arg5: memref<128x128xf32, #tpu.memory_space<hbm>>, %arg6: memref<320x8xf32, #tpu.memory_space<hbm>>, %arg7: memref<3x128x8xf32, #tpu.memory_space<hbm>>, %arg8: memref<2x3x5120x128xf32, #tpu.memory_space<hbm>>, %arg9: memref<2x5120x8xf32, #tpu.memory_space<hbm>>, %arg10: memref<5120x128xf32, #tpu.memory_space<vmem_shared>>, %arg11: memref<5120x8xf32, #tpu.memory_space<vmem_shared>>, %arg12: memref<32x128xi32, #tpu.memory_space<vmem>>, %arg13: memref<32x128xi32, #tpu.memory_space<vmem>>, %arg14: memref<128x128xf32, #tpu.memory_space<vmem>>, %arg15: memref<128x128xf32, #tpu.memory_space<vmem>>, %arg16: memref<128x8xf32, #tpu.memory_space<vmem>>, %arg17: memref<!tpu.dma_semaphore, #tpu.memory_space<semaphore_mem>>, %arg18: memref<!tpu.dma_semaphore, #tpu.memory_space<semaphore_mem>>, %arg19: memref<!tpu.dma_semaphore, #tpu.memory_space<semaphore_mem>>) attributes {dimension_semantics = [#tpu.dimension_semantics<core_parallel>, #tpu.dimension_semantics<subcore_parallel>], iteration_bounds = array<i64: 2, 16>, scalar_prefetch = 0 : i64, scratch_operands = 10 : i64, tpu.core_type = #tpu.core_type<sc_vector_subcore>, window_params = [{transform_indices = #map}, {transform_indices = #map}, {transform_indices = #map}, {transform_indices = #map}, {transform_indices = #map}, {transform_indices = #map1}, {transform_indices = #map2}, {transform_indices = #map1}]} {
    %mul3A = arith.constant 2 : i32
    %mul3A_0 = arith.muli %arg1, %mul3A : i32
    %add3A = arith.addi %mul3A_0, %arg0 : i32
    %mul3A_1 = arith.constant 320 : i32
    %mul3A_2 = arith.muli %arg1, %mul3A_1 : i32
    "tpu.region"() ({
      %run_scoped3A = tpu.sem_alloc : memref<!tpu.dma_semaphore, #tpu.memory_space<semaphore_mem>>
      %dma_start3A = arith.constant 0 : i32
      %dma_start3A_10 = tpu.memref_slice %arg11[%mul3A_2, %dma_start3A] : memref<5120x8xf32, #tpu.memory_space<vmem_shared>> -> memref<320x8xf32, #tpu.memory_space<vmem_shared>>
      tpu.enqueue_dma source(%arg6 : memref<320x8xf32, #tpu.memory_space<hbm>>) target(%dma_start3A_10 : memref<320x8xf32, #tpu.memory_space<vmem_shared>>) target_semaphore(%run_scoped3A : memref<!tpu.dma_semaphore, #tpu.memory_space<semaphore_mem>>)
      %dma_wait3A = arith.constant 0 : i32
      %dma_wait3A_11 = tpu.memref_slice %arg11[%mul3A_2, %dma_wait3A] : memref<5120x8xf32, #tpu.memory_space<vmem_shared>> -> memref<320x8xf32, #tpu.memory_space<vmem_shared>>
      tpu.wait_dma2 semaphore(%run_scoped3A : memref<!tpu.dma_semaphore, #tpu.memory_space<semaphore_mem>>) src(%arg6 : memref<320x8xf32, #tpu.memory_space<hbm>>) dst(%dma_wait3A_11 : memref<320x8xf32, #tpu.memory_space<vmem_shared>>)
      tpu.yield
    }) : () -> ()
    %scan3A = arith.constant 0 : i32
    %scan3A_3 = arith.constant 0 : i32
    %scan3A_4 = arith.constant 3 : i32
    %scan3A_5 = arith.addi %scan3A_3, %scan3A_4 : i32
    %scan3A_6 = arith.constant 1 : i32
    scf.for %scan3A_10 = %scan3A_3 to %scan3A_5 step %scan3A_6  : i32 {
      %add3A_11 = arith.constant 0 : i32
      %add3A_12 = arith.addi %arg1, %add3A_11 : i32
      %lt3A = arith.constant 40 : i32
      %lt3A_13 = arith.cmpi slt, %add3A_12, %lt3A : i32
      %convert_element_type3A = arith.extui %lt3A_13 : i1 to i32
      %cond3A = arith.constant 0 : i32
      %cond3A_14 = arith.cmpi ne, %convert_element_type3A, %cond3A : i32
      scf.if %cond3A_14 {
        %mul3A_75 = arith.constant 128 : i32
        %mul3A_76 = arith.muli %add3A_12, %mul3A_75 : i32
        "tpu.region"() ({
          %run_scoped3A_77 = tpu.sem_alloc : memref<!tpu.dma_semaphore, #tpu.memory_space<semaphore_mem>>
          %dma_start3A_78 = arith.constant 0 : i32
          %dma_start3A_79 = tpu.memref_slice %arg10[%mul3A_76, %dma_start3A_78] : memref<5120x128xf32, #tpu.memory_space<vmem_shared>> -> memref<128x128xf32, #tpu.memory_space<vmem_shared>>
          tpu.enqueue_dma source(%arg5 : memref<128x128xf32, #tpu.memory_space<hbm>>) target(%dma_start3A_79 : memref<128x128xf32, #tpu.memory_space<vmem_shared>>) target_semaphore(%run_scoped3A_77 : memref<!tpu.dma_semaphore, #tpu.memory_space<semaphore_mem>>)
          %dma_wait3A_80 = arith.constant 0 : i32
          %dma_wait3A_81 = tpu.memref_slice %arg10[%mul3A_76, %dma_wait3A_80] : memref<5120x128xf32, #tpu.memory_space<vmem_shared>> -> memref<128x128xf32, #tpu.memory_space<vmem_shared>>
          tpu.wait_dma2 semaphore(%run_scoped3A_77 : memref<!tpu.dma_semaphore, #tpu.memory_space<semaphore_mem>>) src(%arg5 : memref<128x128xf32, #tpu.memory_space<hbm>>) dst(%dma_wait3A_81 : memref<128x128xf32, #tpu.memory_space<vmem_shared>>)
          tpu.yield
        }) : () -> ()
      } else {
      }
      %add3A_15 = arith.constant 16 : i32
      %add3A_16 = arith.addi %arg1, %add3A_15 : i32
      %lt3A_17 = arith.constant 40 : i32
      %lt3A_18 = arith.cmpi slt, %add3A_16, %lt3A_17 : i32
      %convert_element_type3A_19 = arith.extui %lt3A_18 : i1 to i32
      %cond3A_20 = arith.constant 0 : i32
      %cond3A_21 = arith.cmpi ne, %convert_element_type3A_19, %cond3A_20 : i32
      scf.if %cond3A_21 {
        %mul3A_75 = arith.constant 128 : i32
        %mul3A_76 = arith.muli %add3A_16, %mul3A_75 : i32
        "tpu.region"() ({
          %run_scoped3A_77 = tpu.sem_alloc : memref<!tpu.dma_semaphore, #tpu.memory_space<semaphore_mem>>
          %dma_start3A_78 = arith.constant 0 : i32
          %dma_start3A_79 = tpu.memref_slice %arg10[%mul3A_76, %dma_start3A_78] : memref<5120x128xf32, #tpu.memory_space<vmem_shared>> -> memref<128x128xf32, #tpu.memory_space<vmem_shared>>
          tpu.enqueue_dma source(%arg5 : memref<128x128xf32, #tpu.memory_space<hbm>>) target(%dma_start3A_79 : memref<128x128xf32, #tpu.memory_space<vmem_shared>>) target_semaphore(%run_scoped3A_77 : memref<!tpu.dma_semaphore, #tpu.memory_space<semaphore_mem>>)
          %dma_wait3A_80 = arith.constant 0 : i32
          %dma_wait3A_81 = tpu.memref_slice %arg10[%mul3A_76, %dma_wait3A_80] : memref<5120x128xf32, #tpu.memory_space<vmem_shared>> -> memref<128x128xf32, #tpu.memory_space<vmem_shared>>
          tpu.wait_dma2 semaphore(%run_scoped3A_77 : memref<!tpu.dma_semaphore, #tpu.memory_space<semaphore_mem>>) src(%arg5 : memref<128x128xf32, #tpu.memory_space<hbm>>) dst(%dma_wait3A_81 : memref<128x128xf32, #tpu.memory_space<vmem_shared>>)
          tpu.yield
        }) : () -> ()
      } else {
      }
      %add3A_22 = arith.constant 32 : i32
      %add3A_23 = arith.addi %arg1, %add3A_22 : i32
      %lt3A_24 = arith.constant 40 : i32
      %lt3A_25 = arith.cmpi slt, %add3A_23, %lt3A_24 : i32
      %convert_element_type3A_26 = arith.extui %lt3A_25 : i1 to i32
      %cond3A_27 = arith.constant 0 : i32
      %cond3A_28 = arith.cmpi ne, %convert_element_type3A_26, %cond3A_27 : i32
      scf.if %cond3A_28 {
        %mul3A_75 = arith.constant 128 : i32
        %mul3A_76 = arith.muli %add3A_23, %mul3A_75 : i32
        "tpu.region"() ({
          %run_scoped3A_77 = tpu.sem_alloc : memref<!tpu.dma_semaphore, #tpu.memory_space<semaphore_mem>>
          %dma_start3A_78 = arith.constant 0 : i32
          %dma_start3A_79 = tpu.memref_slice %arg10[%mul3A_76, %dma_start3A_78] : memref<5120x128xf32, #tpu.memory_space<vmem_shared>> -> memref<128x128xf32, #tpu.memory_space<vmem_shared>>
          tpu.enqueue_dma source(%arg5 : memref<128x128xf32, #tpu.memory_space<hbm>>) target(%dma_start3A_79 : memref<128x128xf32, #tpu.memory_space<vmem_shared>>) target_semaphore(%run_scoped3A_77 : memref<!tpu.dma_semaphore, #tpu.memory_space<semaphore_mem>>)
          %dma_wait3A_80 = arith.constant 0 : i32
          %dma_wait3A_81 = tpu.memref_slice %arg10[%mul3A_76, %dma_wait3A_80] : memref<5120x128xf32, #tpu.memory_space<vmem_shared>> -> memref<128x128xf32, #tpu.memory_space<vmem_shared>>
          tpu.wait_dma2 semaphore(%run_scoped3A_77 : memref<!tpu.dma_semaphore, #tpu.memory_space<semaphore_mem>>) src(%arg5 : memref<128x128xf32, #tpu.memory_space<hbm>>) dst(%dma_wait3A_81 : memref<128x128xf32, #tpu.memory_space<vmem_shared>>)
          tpu.yield
        }) : () -> ()
      } else {
      }
      %barrier3A = arith.constant 0 : index
      tpu.barrier barrier_id(%barrier3A)
      "tpu.region"() ({
        %run_scoped3A_75 = tpu.sem_alloc : memref<!tpu.dma_semaphore, #tpu.memory_space<semaphore_mem>>
        %dma_start3A_76 = arith.constant 0 : i32
        %dma_start3A_77 = arith.constant 0 : i32
        %dma_start3A_78 = tpu.memref_slice %arg7[%scan3A_10, %dma_start3A_76, %dma_start3A_77] : memref<3x128x8xf32, #tpu.memory_space<hbm>> -> memref<1x128x8xf32, #tpu.memory_space<hbm>>
        %dma_start3A_79 = tpu.memref_squeeze %dma_start3A_78 : memref<1x128x8xf32, #tpu.memory_space<hbm>> -> memref<128x8xf32, #tpu.memory_space<hbm>>
        %dma_start3A_80 = arith.constant 0 : i32
        %dma_start3A_81 = arith.constant 0 : i32
        %dma_start3A_82 = tpu.memref_slice %arg7[%scan3A_10, %dma_start3A_80, %dma_start3A_81] : memref<3x128x8xf32, #tpu.memory_space<hbm>> -> memref<1x128x8xf32, #tpu.memory_space<hbm>>
        %dma_start3A_83 = tpu.memref_squeeze %dma_start3A_82 : memref<1x128x8xf32, #tpu.memory_space<hbm>> -> memref<128x8xf32, #tpu.memory_space<hbm>>
        tpu.enqueue_dma source(%dma_start3A_83 : memref<128x8xf32, #tpu.memory_space<hbm>>) target(%arg16 : memref<128x8xf32, #tpu.memory_space<vmem>>) target_semaphore(%run_scoped3A_75 : memref<!tpu.dma_semaphore, #tpu.memory_space<semaphore_mem>>)
        %dma_wait3A_84 = arith.constant 0 : i32
        %dma_wait3A_85 = arith.constant 0 : i32
        %dma_wait3A_86 = tpu.memref_slice %arg7[%scan3A_10, %dma_wait3A_84, %dma_wait3A_85] : memref<3x128x8xf32, #tpu.memory_space<hbm>> -> memref<1x128x8xf32, #tpu.memory_space<hbm>>
        %dma_wait3A_87 = tpu.memref_squeeze %dma_wait3A_86 : memref<1x128x8xf32, #tpu.memory_space<hbm>> -> memref<128x8xf32, #tpu.memory_space<hbm>>
        %dma_wait3A_88 = arith.constant 0 : i32
        %dma_wait3A_89 = arith.constant 0 : i32
        %dma_wait3A_90 = tpu.memref_slice %arg7[%scan3A_10, %dma_wait3A_88, %dma_wait3A_89] : memref<3x128x8xf32, #tpu.memory_space<hbm>> -> memref<1x128x8xf32, #tpu.memory_space<hbm>>
        %dma_wait3A_91 = tpu.memref_squeeze %dma_wait3A_90 : memref<1x128x8xf32, #tpu.memory_space<hbm>> -> memref<128x8xf32, #tpu.memory_space<hbm>>
        tpu.wait_dma2 semaphore(%run_scoped3A_75 : memref<!tpu.dma_semaphore, #tpu.memory_space<semaphore_mem>>) src(%dma_wait3A_91 : memref<128x8xf32, #tpu.memory_space<hbm>>) dst(%arg16 : memref<128x8xf32, #tpu.memory_space<vmem>>)
        tpu.yield
      }) : () -> ()
      %mul3A_29 = arith.constant 32 : i32
      %mul3A_30 = arith.muli %scan3A_10, %mul3A_29 : i32
      %add3A_31 = arith.addi %mul3A_30, %add3A : i32
      %mul3A_32 = arith.constant 32 : i32
      %mul3A_33 = arith.muli %add3A_31, %mul3A_32 : i32
      "tpu.region"() ({
        %run_scoped3A_75 = tpu.sem_alloc : memref<!tpu.dma_semaphore, #tpu.memory_space<semaphore_mem>>
        %dma_start3A_76 = arith.constant 0 : i32
        %dma_start3A_77 = tpu.memref_slice %arg3[%mul3A_33, %dma_start3A_76] : memref<3072x128xi32, #tpu.memory_space<hbm>> -> memref<32x128xi32, #tpu.memory_space<hbm>>
        %dma_start3A_78 = arith.constant 0 : i32
        %dma_start3A_79 = tpu.memref_slice %arg3[%mul3A_33, %dma_start3A_78] : memref<3072x128xi32, #tpu.memory_space<hbm>> -> memref<32x128xi32, #tpu.memory_space<hbm>>
        tpu.enqueue_dma source(%dma_start3A_79 : memref<32x128xi32, #tpu.memory_space<hbm>>) target(%arg12 : memref<32x128xi32, #tpu.memory_space<vmem>>) target_semaphore(%run_scoped3A_75 : memref<!tpu.dma_semaphore, #tpu.memory_space<semaphore_mem>>)
        %dma_wait3A_80 = arith.constant 0 : i32
        %dma_wait3A_81 = tpu.memref_slice %arg3[%mul3A_33, %dma_wait3A_80] : memref<3072x128xi32, #tpu.memory_space<hbm>> -> memref<32x128xi32, #tpu.memory_space<hbm>>
        %dma_wait3A_82 = arith.constant 0 : i32
        %dma_wait3A_83 = tpu.memref_slice %arg3[%mul3A_33, %dma_wait3A_82] : memref<3072x128xi32, #tpu.memory_space<hbm>> -> memref<32x128xi32, #tpu.memory_space<hbm>>
        tpu.wait_dma2 semaphore(%run_scoped3A_75 : memref<!tpu.dma_semaphore, #tpu.memory_space<semaphore_mem>>) src(%dma_wait3A_83 : memref<32x128xi32, #tpu.memory_space<hbm>>) dst(%arg12 : memref<32x128xi32, #tpu.memory_space<vmem>>)
        tpu.yield
      }) : () -> ()
      "tpu.region"() ({
        %run_scoped3A_75 = tpu.sem_alloc : memref<!tpu.dma_semaphore, #tpu.memory_space<semaphore_mem>>
        %dma_start3A_76 = arith.constant 0 : i32
        %dma_start3A_77 = tpu.memref_slice %arg4[%mul3A_33, %dma_start3A_76] : memref<3072x128xi32, #tpu.memory_space<hbm>> -> memref<32x128xi32, #tpu.memory_space<hbm>>
        %dma_start3A_78 = arith.constant 0 : i32
        %dma_start3A_79 = tpu.memref_slice %arg4[%mul3A_33, %dma_start3A_78] : memref<3072x128xi32, #tpu.memory_space<hbm>> -> memref<32x128xi32, #tpu.memory_space<hbm>>
        tpu.enqueue_dma source(%dma_start3A_79 : memref<32x128xi32, #tpu.memory_space<hbm>>) target(%arg13 : memref<32x128xi32, #tpu.memory_space<vmem>>) target_semaphore(%run_scoped3A_75 : memref<!tpu.dma_semaphore, #tpu.memory_space<semaphore_mem>>)
        %dma_wait3A_80 = arith.constant 0 : i32
        %dma_wait3A_81 = tpu.memref_slice %arg4[%mul3A_33, %dma_wait3A_80] : memref<3072x128xi32, #tpu.memory_space<hbm>> -> memref<32x128xi32, #tpu.memory_space<hbm>>
        %dma_wait3A_82 = arith.constant 0 : i32
        %dma_wait3A_83 = tpu.memref_slice %arg4[%mul3A_33, %dma_wait3A_82] : memref<3072x128xi32, #tpu.memory_space<hbm>> -> memref<32x128xi32, #tpu.memory_space<hbm>>
        tpu.wait_dma2 semaphore(%run_scoped3A_75 : memref<!tpu.dma_semaphore, #tpu.memory_space<semaphore_mem>>) src(%dma_wait3A_83 : memref<32x128xi32, #tpu.memory_space<hbm>>) dst(%arg13 : memref<32x128xi32, #tpu.memory_space<vmem>>)
        tpu.yield
      }) : () -> ()
      %dma_start3A = arith.constant 0 : i32
      %dma_start3A_34 = arith.constant 0 : i32
      %dma_start3A_35 = tpu.memref_slice %arg12[%dma_start3A, %dma_start3A_34] : memref<32x128xi32, #tpu.memory_space<vmem>> -> memref<1x128xi32, #tpu.memory_space<vmem>>
      %dma_start3A_36 = tpu.memref_squeeze %dma_start3A_35 : memref<1x128xi32, #tpu.memory_space<vmem>> -> memref<128xi32, #tpu.memory_space<vmem>>
      %dma_start3A_37 = arith.constant 0 : i32
      %dma_start3A_38 = arith.constant 0 : i32
      %dma_start3A_39 = tpu.memref_slice %arg2[%dma_start3A_37, %dma_start3A_38] : memref<15000x128xf32, #tpu.memory_space<hbm>> -> memref<15000x128xf32, #tpu.memory_space<hbm>>
      tpu.enqueue_indirect_dma source(%dma_start3A_39 : memref<15000x128xf32, #tpu.memory_space<hbm>>) target(%arg14 : memref<128x128xf32, #tpu.memory_space<vmem>>) offsets(%dma_start3A_36 : memref<128xi32, #tpu.memory_space<vmem>>) semaphore(%arg17 : memref<!tpu.dma_semaphore, #tpu.memory_space<semaphore_mem>>)
      %scan3A_40 = arith.constant 0 : i32
      %scan3A_41 = arith.constant 0 : i32
      %scan3A_42 = arith.constant 12 : i32
      %scan3A_43 = arith.addi %scan3A_41, %scan3A_42 : i32
      %scan3A_44 = arith.constant 1 : i32
      scf.for %scan3A_75 = %scan3A_41 to %scan3A_43 step %scan3A_44  : i32 {
        %mul3A_76 = arith.constant 2 : i32
        %mul3A_77 = arith.muli %mul3A_76, %scan3A_75 : i32
        %dma_wait3A_78 = arith.constant 0 : i32
        %dma_wait3A_79 = tpu.memref_slice %arg12[%mul3A_77, %dma_wait3A_78] : memref<32x128xi32, #tpu.memory_space<vmem>> -> memref<1x128xi32, #tpu.memory_space<vmem>>
        %dma_wait3A_80 = tpu.memref_squeeze %dma_wait3A_79 : memref<1x128xi32, #tpu.memory_space<vmem>> -> memref<128xi32, #tpu.memory_space<vmem>>
        %dma_wait3A_81 = arith.constant 0 : i32
        %dma_wait3A_82 = arith.constant 0 : i32
        %dma_wait3A_83 = tpu.memref_slice %arg2[%dma_wait3A_81, %dma_wait3A_82] : memref<15000x128xf32, #tpu.memory_space<hbm>> -> memref<15000x128xf32, #tpu.memory_space<hbm>>
        tpu.wait_indirect_dma semaphore(%arg17 : memref<!tpu.dma_semaphore, #tpu.memory_space<semaphore_mem>>) src(%dma_wait3A_83 : memref<15000x128xf32, #tpu.memory_space<hbm>>) dst(%arg14 : memref<128x128xf32, #tpu.memory_space<vmem>>)
        %add3A_84 = arith.constant 1 : i32
        %add3A_85 = arith.addi %mul3A_77, %add3A_84 : i32
        %dma_start3A_86 = arith.constant 0 : i32
        %dma_start3A_87 = tpu.memref_slice %arg12[%add3A_85, %dma_start3A_86] : memref<32x128xi32, #tpu.memory_space<vmem>> -> memref<1x128xi32, #tpu.memory_space<vmem>>
        %dma_start3A_88 = tpu.memref_squeeze %dma_start3A_87 : memref<1x128xi32, #tpu.memory_space<vmem>> -> memref<128xi32, #tpu.memory_space<vmem>>
        %dma_start3A_89 = arith.constant 0 : i32
        %dma_start3A_90 = arith.constant 0 : i32
        %dma_start3A_91 = tpu.memref_slice %arg2[%dma_start3A_89, %dma_start3A_90] : memref<15000x128xf32, #tpu.memory_space<hbm>> -> memref<15000x128xf32, #tpu.memory_space<hbm>>
        tpu.enqueue_indirect_dma source(%dma_start3A_91 : memref<15000x128xf32, #tpu.memory_space<hbm>>) target(%arg15 : memref<128x128xf32, #tpu.memory_space<vmem>>) offsets(%dma_start3A_88 : memref<128xi32, #tpu.memory_space<vmem>>) semaphore(%arg18 : memref<!tpu.dma_semaphore, #tpu.memory_space<semaphore_mem>>)
        "tpu.region"() ({
          %run_scoped3A_110 = tpu.sem_alloc : memref<!tpu.dma_semaphore, #tpu.memory_space<semaphore_mem>>
          %dma_start3A_111 = arith.constant 0 : i32
          %dma_start3A_112 = tpu.memref_slice %arg13[%mul3A_77, %dma_start3A_111] : memref<32x128xi32, #tpu.memory_space<vmem>> -> memref<1x128xi32, #tpu.memory_space<vmem>>
          %dma_start3A_113 = tpu.memref_squeeze %dma_start3A_112 : memref<1x128xi32, #tpu.memory_space<vmem>> -> memref<128xi32, #tpu.memory_space<vmem>>
          %dma_start3A_114 = arith.constant 0 : i32
          %dma_start3A_115 = arith.constant 0 : i32
          %dma_start3A_116 = tpu.memref_slice %arg10[%dma_start3A_114, %dma_start3A_115] : memref<5120x128xf32, #tpu.memory_space<vmem_shared>> -> memref<5120x128xf32, #tpu.memory_space<vmem_shared>>
          tpu.enqueue_indirect_dma source(%arg14 : memref<128x128xf32, #tpu.memory_space<vmem>>) target(%dma_start3A_116 : memref<5120x128xf32, #tpu.memory_space<vmem_shared>>) offsets(%dma_start3A_113 : memref<128xi32, #tpu.memory_space<vmem>>) semaphore(%run_scoped3A_110 : memref<!tpu.dma_semaphore, #tpu.memory_space<semaphore_mem>>) {add = true}
          %dma_wait3A_117 = arith.constant 0 : i32
          %dma_wait3A_118 = tpu.memref_slice %arg13[%mul3A_77, %dma_wait3A_117] : memref<32x128xi32, #tpu.memory_space<vmem>> -> memref<1x128xi32, #tpu.memory_space<vmem>>
          %dma_wait3A_119 = tpu.memref_squeeze %dma_wait3A_118 : memref<1x128xi32, #tpu.memory_space<vmem>> -> memref<128xi32, #tpu.memory_space<vmem>>
          %dma_wait3A_120 = arith.constant 0 : i32
          %dma_wait3A_121 = arith.constant 0 : i32
          %dma_wait3A_122 = tpu.memref_slice %arg10[%dma_wait3A_120, %dma_wait3A_121] : memref<5120x128xf32, #tpu.memory_space<vmem_shared>> -> memref<5120x128xf32, #tpu.memory_space<vmem_shared>>
          tpu.wait_indirect_dma semaphore(%run_scoped3A_110 : memref<!tpu.dma_semaphore, #tpu.memory_space<semaphore_mem>>) src(%arg14 : memref<128x128xf32, #tpu.memory_space<vmem>>) dst(%dma_wait3A_122 : memref<5120x128xf32, #tpu.memory_space<vmem_shared>>)
          tpu.yield
        }) : () -> ()
        %add3A_92 = arith.constant 1 : i32
        %add3A_93 = arith.addi %mul3A_77, %add3A_92 : i32
        %dma_wait3A_94 = arith.constant 0 : i32
        %dma_wait3A_95 = tpu.memref_slice %arg12[%add3A_93, %dma_wait3A_94] : memref<32x128xi32, #tpu.memory_space<vmem>> -> memref<1x128xi32, #tpu.memory_space<vmem>>
        %dma_wait3A_96 = tpu.memref_squeeze %dma_wait3A_95 : memref<1x128xi32, #tpu.memory_space<vmem>> -> memref<128xi32, #tpu.memory_space<vmem>>
        %dma_wait3A_97 = arith.constant 0 : i32
        %dma_wait3A_98 = arith.constant 0 : i32
        %dma_wait3A_99 = tpu.memref_slice %arg2[%dma_wait3A_97, %dma_wait3A_98] : memref<15000x128xf32, #tpu.memory_space<hbm>> -> memref<15000x128xf32, #tpu.memory_space<hbm>>
        tpu.wait_indirect_dma semaphore(%arg18 : memref<!tpu.dma_semaphore, #tpu.memory_space<semaphore_mem>>) src(%dma_wait3A_99 : memref<15000x128xf32, #tpu.memory_space<hbm>>) dst(%arg15 : memref<128x128xf32, #tpu.memory_space<vmem>>)
        %add3A_100 = arith.constant 2 : i32
        %add3A_101 = arith.addi %mul3A_77, %add3A_100 : i32
        %dma_start3A_102 = arith.constant 0 : i32
        %dma_start3A_103 = tpu.memref_slice %arg12[%add3A_101, %dma_start3A_102] : memref<32x128xi32, #tpu.memory_space<vmem>> -> memref<1x128xi32, #tpu.memory_space<vmem>>
        %dma_start3A_104 = tpu.memref_squeeze %dma_start3A_103 : memref<1x128xi32, #tpu.memory_space<vmem>> -> memref<128xi32, #tpu.memory_space<vmem>>
        %dma_start3A_105 = arith.constant 0 : i32
        %dma_start3A_106 = arith.constant 0 : i32
        %dma_start3A_107 = tpu.memref_slice %arg2[%dma_start3A_105, %dma_start3A_106] : memref<15000x128xf32, #tpu.memory_space<hbm>> -> memref<15000x128xf32, #tpu.memory_space<hbm>>
        tpu.enqueue_indirect_dma source(%dma_start3A_107 : memref<15000x128xf32, #tpu.memory_space<hbm>>) target(%arg14 : memref<128x128xf32, #tpu.memory_space<vmem>>) offsets(%dma_start3A_104 : memref<128xi32, #tpu.memory_space<vmem>>) semaphore(%arg17 : memref<!tpu.dma_semaphore, #tpu.memory_space<semaphore_mem>>)
        %add3A_108 = arith.constant 1 : i32
        %add3A_109 = arith.addi %mul3A_77, %add3A_108 : i32
        "tpu.region"() ({
          %run_scoped3A_110 = tpu.sem_alloc : memref<!tpu.dma_semaphore, #tpu.memory_space<semaphore_mem>>
          %dma_start3A_111 = arith.constant 0 : i32
          %dma_start3A_112 = tpu.memref_slice %arg13[%add3A_109, %dma_start3A_111] : memref<32x128xi32, #tpu.memory_space<vmem>> -> memref<1x128xi32, #tpu.memory_space<vmem>>
          %dma_start3A_113 = tpu.memref_squeeze %dma_start3A_112 : memref<1x128xi32, #tpu.memory_space<vmem>> -> memref<128xi32, #tpu.memory_space<vmem>>
          %dma_start3A_114 = arith.constant 0 : i32
          %dma_start3A_115 = arith.constant 0 : i32
          %dma_start3A_116 = tpu.memref_slice %arg10[%dma_start3A_114, %dma_start3A_115] : memref<5120x128xf32, #tpu.memory_space<vmem_shared>> -> memref<5120x128xf32, #tpu.memory_space<vmem_shared>>
          tpu.enqueue_indirect_dma source(%arg15 : memref<128x128xf32, #tpu.memory_space<vmem>>) target(%dma_start3A_116 : memref<5120x128xf32, #tpu.memory_space<vmem_shared>>) offsets(%dma_start3A_113 : memref<128xi32, #tpu.memory_space<vmem>>) semaphore(%run_scoped3A_110 : memref<!tpu.dma_semaphore, #tpu.memory_space<semaphore_mem>>) {add = true}
          %dma_wait3A_117 = arith.constant 0 : i32
          %dma_wait3A_118 = tpu.memref_slice %arg13[%add3A_109, %dma_wait3A_117] : memref<32x128xi32, #tpu.memory_space<vmem>> -> memref<1x128xi32, #tpu.memory_space<vmem>>
          %dma_wait3A_119 = tpu.memref_squeeze %dma_wait3A_118 : memref<1x128xi32, #tpu.memory_space<vmem>> -> memref<128xi32, #tpu.memory_space<vmem>>
          %dma_wait3A_120 = arith.constant 0 : i32
          %dma_wait3A_121 = arith.constant 0 : i32
          %dma_wait3A_122 = tpu.memref_slice %arg10[%dma_wait3A_120, %dma_wait3A_121] : memref<5120x128xf32, #tpu.memory_space<vmem_shared>> -> memref<5120x128xf32, #tpu.memory_space<vmem_shared>>
          tpu.wait_indirect_dma semaphore(%run_scoped3A_110 : memref<!tpu.dma_semaphore, #tpu.memory_space<semaphore_mem>>) src(%arg15 : memref<128x128xf32, #tpu.memory_space<vmem>>) dst(%dma_wait3A_122 : memref<5120x128xf32, #tpu.memory_space<vmem_shared>>)
          tpu.yield
        }) : () -> ()
      }
      %scan3A_45 = arith.constant 12 : i32
      %dma_wait3A = arith.constant 24 : i32
      %dma_wait3A_46 = arith.constant 0 : i32
      %dma_wait3A_47 = tpu.memref_slice %arg12[%dma_wait3A, %dma_wait3A_46] : memref<32x128xi32, #tpu.memory_space<vmem>> -> memref<1x128xi32, #tpu.memory_space<vmem>>
      %dma_wait3A_48 = tpu.memref_squeeze %dma_wait3A_47 : memref<1x128xi32, #tpu.memory_space<vmem>> -> memref<128xi32, #tpu.memory_space<vmem>>
      %dma_wait3A_49 = arith.constant 0 : i32
      %dma_wait3A_50 = arith.constant 0 : i32
      %dma_wait3A_51 = tpu.memref_slice %arg2[%dma_wait3A_49, %dma_wait3A_50] : memref<15000x128xf32, #tpu.memory_space<hbm>> -> memref<15000x128xf32, #tpu.memory_space<hbm>>
      tpu.wait_indirect_dma semaphore(%arg17 : memref<!tpu.dma_semaphore, #tpu.memory_space<semaphore_mem>>) src(%dma_wait3A_51 : memref<15000x128xf32, #tpu.memory_space<hbm>>) dst(%arg14 : memref<128x128xf32, #tpu.memory_space<vmem>>)
      %run_scoped3A = arith.constant 24 : i32
      "tpu.region"() ({
        %run_scoped3A_75 = tpu.sem_alloc : memref<!tpu.dma_semaphore, #tpu.memory_space<semaphore_mem>>
        %dma_start3A_76 = arith.constant 0 : i32
        %dma_start3A_77 = tpu.memref_slice %arg13[%run_scoped3A, %dma_start3A_76] : memref<32x128xi32, #tpu.memory_space<vmem>> -> memref<1x128xi32, #tpu.memory_space<vmem>>
        %dma_start3A_78 = tpu.memref_squeeze %dma_start3A_77 : memref<1x128xi32, #tpu.memory_space<vmem>> -> memref<128xi32, #tpu.memory_space<vmem>>
        %dma_start3A_79 = arith.constant 0 : i32
        %dma_start3A_80 = arith.constant 0 : i32
        %dma_start3A_81 = tpu.memref_slice %arg10[%dma_start3A_79, %dma_start3A_80] : memref<5120x128xf32, #tpu.memory_space<vmem_shared>> -> memref<5120x128xf32, #tpu.memory_space<vmem_shared>>
        tpu.enqueue_indirect_dma source(%arg14 : memref<128x128xf32, #tpu.memory_space<vmem>>) target(%dma_start3A_81 : memref<5120x128xf32, #tpu.memory_space<vmem_shared>>) offsets(%dma_start3A_78 : memref<128xi32, #tpu.memory_space<vmem>>) semaphore(%run_scoped3A_75 : memref<!tpu.dma_semaphore, #tpu.memory_space<semaphore_mem>>) {add = true}
        %dma_wait3A_82 = arith.constant 0 : i32
        %dma_wait3A_83 = tpu.memref_slice %arg13[%run_scoped3A, %dma_wait3A_82] : memref<32x128xi32, #tpu.memory_space<vmem>> -> memref<1x128xi32, #tpu.memory_space<vmem>>
        %dma_wait3A_84 = tpu.memref_squeeze %dma_wait3A_83 : memref<1x128xi32, #tpu.memory_space<vmem>> -> memref<128xi32, #tpu.memory_space<vmem>>
        %dma_wait3A_85 = arith.constant 0 : i32
        %dma_wait3A_86 = arith.constant 0 : i32
        %dma_wait3A_87 = tpu.memref_slice %arg10[%dma_wait3A_85, %dma_wait3A_86] : memref<5120x128xf32, #tpu.memory_space<vmem_shared>> -> memref<5120x128xf32, #tpu.memory_space<vmem_shared>>
        tpu.wait_indirect_dma semaphore(%run_scoped3A_75 : memref<!tpu.dma_semaphore, #tpu.memory_space<semaphore_mem>>) src(%arg14 : memref<128x128xf32, #tpu.memory_space<vmem>>) dst(%dma_wait3A_87 : memref<5120x128xf32, #tpu.memory_space<vmem_shared>>)
        tpu.yield
      }) : () -> ()
      %barrier3A_52 = arith.constant 0 : index
      tpu.barrier barrier_id(%barrier3A_52)
      %add3A_53 = arith.constant 0 : i32
      %add3A_54 = arith.addi %arg1, %add3A_53 : i32
      %lt3A_55 = arith.constant 40 : i32
      %lt3A_56 = arith.cmpi slt, %add3A_54, %lt3A_55 : i32
      %convert_element_type3A_57 = arith.extui %lt3A_56 : i1 to i32
      %cond3A_58 = arith.constant 0 : i32
      %cond3A_59 = arith.cmpi ne, %convert_element_type3A_57, %cond3A_58 : i32
      scf.if %cond3A_59 {
        %mul3A_75 = arith.constant 128 : i32
        %mul3A_76 = arith.muli %add3A_54, %mul3A_75 : i32
        %mul3A_77 = arith.constant 128 : i32
        %mul3A_78 = arith.muli %add3A_54, %mul3A_77 : i32
        "tpu.region"() ({
          %run_scoped3A_79 = tpu.sem_alloc : memref<!tpu.dma_semaphore, #tpu.memory_space<semaphore_mem>>
          %dma_start3A_80 = arith.constant 0 : i32
          %dma_start3A_81 = arith.constant 0 : i32
          %dma_start3A_82 = tpu.memref_slice %arg8[%arg0, %scan3A_10, %dma_start3A_80, %dma_start3A_81] : memref<2x3x5120x128xf32, #tpu.memory_space<hbm>> -> memref<1x1x5120x128xf32, #tpu.memory_space<hbm>>
          %dma_start3A_83 = tpu.memref_squeeze %dma_start3A_82 : memref<1x1x5120x128xf32, #tpu.memory_space<hbm>> -> memref<5120x128xf32, #tpu.memory_space<hbm>>
          %dma_start3A_84 = arith.constant 0 : i32
          %dma_start3A_85 = tpu.memref_slice %dma_start3A_83[%mul3A_78, %dma_start3A_84] : memref<5120x128xf32, #tpu.memory_space<hbm>> -> memref<128x128xf32, #tpu.memory_space<hbm>>
          %dma_start3A_86 = arith.constant 0 : i32
          %dma_start3A_87 = tpu.memref_slice %arg10[%mul3A_76, %dma_start3A_86] : memref<5120x128xf32, #tpu.memory_space<vmem_shared>> -> memref<128x128xf32, #tpu.memory_space<vmem_shared>>
          tpu.enqueue_dma source(%dma_start3A_87 : memref<128x128xf32, #tpu.memory_space<vmem_shared>>) target(%dma_start3A_85 : memref<128x128xf32, #tpu.memory_space<hbm>>) target_semaphore(%run_scoped3A_79 : memref<!tpu.dma_semaphore, #tpu.memory_space<semaphore_mem>>)
          %dma_wait3A_88 = arith.constant 0 : i32
          %dma_wait3A_89 = arith.constant 0 : i32
          %dma_wait3A_90 = tpu.memref_slice %arg8[%arg0, %scan3A_10, %dma_wait3A_88, %dma_wait3A_89] : memref<2x3x5120x128xf32, #tpu.memory_space<hbm>> -> memref<1x1x5120x128xf32, #tpu.memory_space<hbm>>
          %dma_wait3A_91 = tpu.memref_squeeze %dma_wait3A_90 : memref<1x1x5120x128xf32, #tpu.memory_space<hbm>> -> memref<5120x128xf32, #tpu.memory_space<hbm>>
          %dma_wait3A_92 = arith.constant 0 : i32
          %dma_wait3A_93 = tpu.memref_slice %dma_wait3A_91[%mul3A_78, %dma_wait3A_92] : memref<5120x128xf32, #tpu.memory_space<hbm>> -> memref<128x128xf32, #tpu.memory_space<hbm>>
          %dma_wait3A_94 = arith.constant 0 : i32
          %dma_wait3A_95 = tpu.memref_slice %arg10[%mul3A_76, %dma_wait3A_94] : memref<5120x128xf32, #tpu.memory_space<vmem_shared>> -> memref<128x128xf32, #tpu.memory_space<vmem_shared>>
          tpu.wait_dma2 semaphore(%run_scoped3A_79 : memref<!tpu.dma_semaphore, #tpu.memory_space<semaphore_mem>>) src(%dma_wait3A_95 : memref<128x128xf32, #tpu.memory_space<vmem_shared>>) dst(%dma_wait3A_93 : memref<128x128xf32, #tpu.memory_space<hbm>>)
          tpu.yield
        }) : () -> ()
      } else {
      }
      %add3A_60 = arith.constant 16 : i32
      %add3A_61 = arith.addi %arg1, %add3A_60 : i32
      %lt3A_62 = arith.constant 40 : i32
      %lt3A_63 = arith.cmpi slt, %add3A_61, %lt3A_62 : i32
      %convert_element_type3A_64 = arith.extui %lt3A_63 : i1 to i32
      %cond3A_65 = arith.constant 0 : i32
      %cond3A_66 = arith.cmpi ne, %convert_element_type3A_64, %cond3A_65 : i32
      scf.if %cond3A_66 {
        %mul3A_75 = arith.constant 128 : i32
        %mul3A_76 = arith.muli %add3A_61, %mul3A_75 : i32
        %mul3A_77 = arith.constant 128 : i32
        %mul3A_78 = arith.muli %add3A_61, %mul3A_77 : i32
        "tpu.region"() ({
          %run_scoped3A_79 = tpu.sem_alloc : memref<!tpu.dma_semaphore, #tpu.memory_space<semaphore_mem>>
          %dma_start3A_80 = arith.constant 0 : i32
          %dma_start3A_81 = arith.constant 0 : i32
          %dma_start3A_82 = tpu.memref_slice %arg8[%arg0, %scan3A_10, %dma_start3A_80, %dma_start3A_81] : memref<2x3x5120x128xf32, #tpu.memory_space<hbm>> -> memref<1x1x5120x128xf32, #tpu.memory_space<hbm>>
          %dma_start3A_83 = tpu.memref_squeeze %dma_start3A_82 : memref<1x1x5120x128xf32, #tpu.memory_space<hbm>> -> memref<5120x128xf32, #tpu.memory_space<hbm>>
          %dma_start3A_84 = arith.constant 0 : i32
          %dma_start3A_85 = tpu.memref_slice %dma_start3A_83[%mul3A_78, %dma_start3A_84] : memref<5120x128xf32, #tpu.memory_space<hbm>> -> memref<128x128xf32, #tpu.memory_space<hbm>>
          %dma_start3A_86 = arith.constant 0 : i32
          %dma_start3A_87 = tpu.memref_slice %arg10[%mul3A_76, %dma_start3A_86] : memref<5120x128xf32, #tpu.memory_space<vmem_shared>> -> memref<128x128xf32, #tpu.memory_space<vmem_shared>>
          tpu.enqueue_dma source(%dma_start3A_87 : memref<128x128xf32, #tpu.memory_space<vmem_shared>>) target(%dma_start3A_85 : memref<128x128xf32, #tpu.memory_space<hbm>>) target_semaphore(%run_scoped3A_79 : memref<!tpu.dma_semaphore, #tpu.memory_space<semaphore_mem>>)
          %dma_wait3A_88 = arith.constant 0 : i32
          %dma_wait3A_89 = arith.constant 0 : i32
          %dma_wait3A_90 = tpu.memref_slice %arg8[%arg0, %scan3A_10, %dma_wait3A_88, %dma_wait3A_89] : memref<2x3x5120x128xf32, #tpu.memory_space<hbm>> -> memref<1x1x5120x128xf32, #tpu.memory_space<hbm>>
          %dma_wait3A_91 = tpu.memref_squeeze %dma_wait3A_90 : memref<1x1x5120x128xf32, #tpu.memory_space<hbm>> -> memref<5120x128xf32, #tpu.memory_space<hbm>>
          %dma_wait3A_92 = arith.constant 0 : i32
          %dma_wait3A_93 = tpu.memref_slice %dma_wait3A_91[%mul3A_78, %dma_wait3A_92] : memref<5120x128xf32, #tpu.memory_space<hbm>> -> memref<128x128xf32, #tpu.memory_space<hbm>>
          %dma_wait3A_94 = arith.constant 0 : i32
          %dma_wait3A_95 = tpu.memref_slice %arg10[%mul3A_76, %dma_wait3A_94] : memref<5120x128xf32, #tpu.memory_space<vmem_shared>> -> memref<128x128xf32, #tpu.memory_space<vmem_shared>>
          tpu.wait_dma2 semaphore(%run_scoped3A_79 : memref<!tpu.dma_semaphore, #tpu.memory_space<semaphore_mem>>) src(%dma_wait3A_95 : memref<128x128xf32, #tpu.memory_space<vmem_shared>>) dst(%dma_wait3A_93 : memref<128x128xf32, #tpu.memory_space<hbm>>)
          tpu.yield
        }) : () -> ()
      } else {
      }
      %add3A_67 = arith.constant 32 : i32
      %add3A_68 = arith.addi %arg1, %add3A_67 : i32
      %lt3A_69 = arith.constant 40 : i32
      %lt3A_70 = arith.cmpi slt, %add3A_68, %lt3A_69 : i32
      %convert_element_type3A_71 = arith.extui %lt3A_70 : i1 to i32
      %cond3A_72 = arith.constant 0 : i32
      %cond3A_73 = arith.cmpi ne, %convert_element_type3A_71, %cond3A_72 : i32
      scf.if %cond3A_73 {
        %mul3A_75 = arith.constant 128 : i32
        %mul3A_76 = arith.muli %add3A_68, %mul3A_75 : i32
        %mul3A_77 = arith.constant 128 : i32
        %mul3A_78 = arith.muli %add3A_68, %mul3A_77 : i32
        "tpu.region"() ({
          %run_scoped3A_79 = tpu.sem_alloc : memref<!tpu.dma_semaphore, #tpu.memory_space<semaphore_mem>>
          %dma_start3A_80 = arith.constant 0 : i32
          %dma_start3A_81 = arith.constant 0 : i32
          %dma_start3A_82 = tpu.memref_slice %arg8[%arg0, %scan3A_10, %dma_start3A_80, %dma_start3A_81] : memref<2x3x5120x128xf32, #tpu.memory_space<hbm>> -> memref<1x1x5120x128xf32, #tpu.memory_space<hbm>>
          %dma_start3A_83 = tpu.memref_squeeze %dma_start3A_82 : memref<1x1x5120x128xf32, #tpu.memory_space<hbm>> -> memref<5120x128xf32, #tpu.memory_space<hbm>>
          %dma_start3A_84 = arith.constant 0 : i32
          %dma_start3A_85 = tpu.memref_slice %dma_start3A_83[%mul3A_78, %dma_start3A_84] : memref<5120x128xf32, #tpu.memory_space<hbm>> -> memref<128x128xf32, #tpu.memory_space<hbm>>
          %dma_start3A_86 = arith.constant 0 : i32
          %dma_start3A_87 = tpu.memref_slice %arg10[%mul3A_76, %dma_start3A_86] : memref<5120x128xf32, #tpu.memory_space<vmem_shared>> -> memref<128x128xf32, #tpu.memory_space<vmem_shared>>
          tpu.enqueue_dma source(%dma_start3A_87 : memref<128x128xf32, #tpu.memory_space<vmem_shared>>) target(%dma_start3A_85 : memref<128x128xf32, #tpu.memory_space<hbm>>) target_semaphore(%run_scoped3A_79 : memref<!tpu.dma_semaphore, #tpu.memory_space<semaphore_mem>>)
          %dma_wait3A_88 = arith.constant 0 : i32
          %dma_wait3A_89 = arith.constant 0 : i32
          %dma_wait3A_90 = tpu.memref_slice %arg8[%arg0, %scan3A_10, %dma_wait3A_88, %dma_wait3A_89] : memref<2x3x5120x128xf32, #tpu.memory_space<hbm>> -> memref<1x1x5120x128xf32, #tpu.memory_space<hbm>>
          %dma_wait3A_91 = tpu.memref_squeeze %dma_wait3A_90 : memref<1x1x5120x128xf32, #tpu.memory_space<hbm>> -> memref<5120x128xf32, #tpu.memory_space<hbm>>
          %dma_wait3A_92 = arith.constant 0 : i32
          %dma_wait3A_93 = tpu.memref_slice %dma_wait3A_91[%mul3A_78, %dma_wait3A_92] : memref<5120x128xf32, #tpu.memory_space<hbm>> -> memref<128x128xf32, #tpu.memory_space<hbm>>
          %dma_wait3A_94 = arith.constant 0 : i32
          %dma_wait3A_95 = tpu.memref_slice %arg10[%mul3A_76, %dma_wait3A_94] : memref<5120x128xf32, #tpu.memory_space<vmem_shared>> -> memref<128x128xf32, #tpu.memory_space<vmem_shared>>
          tpu.wait_dma2 semaphore(%run_scoped3A_79 : memref<!tpu.dma_semaphore, #tpu.memory_space<semaphore_mem>>) src(%dma_wait3A_95 : memref<128x128xf32, #tpu.memory_space<vmem_shared>>) dst(%dma_wait3A_93 : memref<128x128xf32, #tpu.memory_space<hbm>>)
          tpu.yield
        }) : () -> ()
      } else {
      }
      %barrier3A_74 = arith.constant 0 : index
      tpu.barrier barrier_id(%barrier3A_74)
    }
    %scan3A_7 = arith.constant 3 : i32
    %mul3A_8 = arith.constant 320 : i32
    %mul3A_9 = arith.muli %arg1, %mul3A_8 : i32
    "tpu.region"() ({
      %run_scoped3A = tpu.sem_alloc : memref<!tpu.dma_semaphore, #tpu.memory_space<semaphore_mem>>
      %dma_start3A = arith.constant 0 : i32
      %dma_start3A_10 = arith.constant 0 : i32
      %dma_start3A_11 = tpu.memref_slice %arg9[%arg0, %dma_start3A, %dma_start3A_10] : memref<2x5120x8xf32, #tpu.memory_space<hbm>> -> memref<1x5120x8xf32, #tpu.memory_space<hbm>>
      %dma_start3A_12 = tpu.memref_squeeze %dma_start3A_11 : memref<1x5120x8xf32, #tpu.memory_space<hbm>> -> memref<5120x8xf32, #tpu.memory_space<hbm>>
      %dma_start3A_13 = arith.constant 0 : i32
      %dma_start3A_14 = tpu.memref_slice %dma_start3A_12[%mul3A_9, %dma_start3A_13] : memref<5120x8xf32, #tpu.memory_space<hbm>> -> memref<320x8xf32, #tpu.memory_space<hbm>>
      %dma_start3A_15 = arith.constant 0 : i32
      %dma_start3A_16 = tpu.memref_slice %arg11[%mul3A_9, %dma_start3A_15] : memref<5120x8xf32, #tpu.memory_space<vmem_shared>> -> memref<320x8xf32, #tpu.memory_space<vmem_shared>>
      tpu.enqueue_dma source(%dma_start3A_16 : memref<320x8xf32, #tpu.memory_space<vmem_shared>>) target(%dma_start3A_14 : memref<320x8xf32, #tpu.memory_space<hbm>>) target_semaphore(%run_scoped3A : memref<!tpu.dma_semaphore, #tpu.memory_space<semaphore_mem>>)
      %dma_wait3A = arith.constant 0 : i32
      %dma_wait3A_17 = arith.constant 0 : i32
      %dma_wait3A_18 = tpu.memref_slice %arg9[%arg0, %dma_wait3A, %dma_wait3A_17] : memref<2x5120x8xf32, #tpu.memory_space<hbm>> -> memref<1x5120x8xf32, #tpu.memory_space<hbm>>
      %dma_wait3A_19 = tpu.memref_squeeze %dma_wait3A_18 : memref<1x5120x8xf32, #tpu.memory_space<hbm>> -> memref<5120x8xf32, #tpu.memory_space<hbm>>
      %dma_wait3A_20 = arith.constant 0 : i32
      %dma_wait3A_21 = tpu.memref_slice %dma_wait3A_19[%mul3A_9, %dma_wait3A_20] : memref<5120x8xf32, #tpu.memory_space<hbm>> -> memref<320x8xf32, #tpu.memory_space<hbm>>
      %dma_wait3A_22 = arith.constant 0 : i32
      %dma_wait3A_23 = tpu.memref_slice %arg11[%mul3A_9, %dma_wait3A_22] : memref<5120x8xf32, #tpu.memory_space<vmem_shared>> -> memref<320x8xf32, #tpu.memory_space<vmem_shared>>
      tpu.wait_dma2 semaphore(%run_scoped3A : memref<!tpu.dma_semaphore, #tpu.memory_space<semaphore_mem>>) src(%dma_wait3A_23 : memref<320x8xf32, #tpu.memory_space<vmem_shared>>) dst(%dma_wait3A_21 : memref<320x8xf32, #tpu.memory_space<hbm>>)
      tpu.yield
    }) : () -> ()
    return
  }
}

module attributes {stable_mosaic.version = 14 : i64} {
  func.func @_tc_body(%arg0: i32, %arg1: memref<2x3x640x128xf32, #tpu.memory_space<vmem>>, %arg2: memref<2x640x8xf32, #tpu.memory_space<vmem>>, %arg3: memref<128x128xf32, #tpu.memory_space<vmem>>, %arg4: memref<128x128xf32, #tpu.memory_space<vmem>>, %arg5: memref<1x128xf32, #tpu.memory_space<vmem>>, %arg6: memref<1x128xf32, #tpu.memory_space<vmem>>, %arg7: memref<2x128x128xf32, #tpu.memory_space<vmem>>, %arg8: memref<1x128xf32, #tpu.memory_space<vmem>>, %arg9: memref<3x2xf32, #tpu.memory_space<smem>>, %arg10: memref<640x128xf32, #tpu.memory_space<vmem>>, %arg11: memref<640x128xf32, #tpu.memory_space<vmem>>) attributes {dimension_semantics = [#tpu.dimension_semantics<arbitrary>], iteration_bounds = array<i64: 8>, scalar_prefetch = 0 : i64, scratch_operands = 0 : i64, tpu.core_type = #tpu.core_type<tc>, window_params = [{transform_indices = @transform_0, window_bounds = array<i64: 2, 3, 640, 128>}, {transform_indices = @transform_1, window_bounds = array<i64: 2, 640, 8>}, {pipeline_mode = #tpu.pipeline_mode<synchronous>, transform_indices = @transform_2, window_bounds = array<i64: 128, 128>}, {pipeline_mode = #tpu.pipeline_mode<synchronous>, transform_indices = @transform_3, window_bounds = array<i64: 128, 128>}, {pipeline_mode = #tpu.pipeline_mode<synchronous>, transform_indices = @transform_4, window_bounds = array<i64: 1, 128>}, {pipeline_mode = #tpu.pipeline_mode<synchronous>, transform_indices = @transform_5, window_bounds = array<i64: 1, 128>}, {pipeline_mode = #tpu.pipeline_mode<synchronous>, transform_indices = @transform_6, window_bounds = array<i64: 2, 128, 128>}, {pipeline_mode = #tpu.pipeline_mode<synchronous>, transform_indices = @transform_7, window_bounds = array<i64: 1, 128>}, {transform_indices = @transform_8, window_bounds = array<i64: 3, 2>}, {transform_indices = @transform_9, window_bounds = array<i64: 640, 128>}, {transform_indices = @transform_10, window_bounds = array<i64: 640, 128>}]} {
    %get3A = arith.constant 0 : index
    %get3A_0 = arith.constant 0 : index
    %get3A_1 = arith.constant 0 : index
    %get3A_2 = arith.constant 0 : index
    %get3A_3 = vector.load %arg1[%get3A, %get3A_0, %get3A_1, %get3A_2] : memref<2x3x640x128xf32, #tpu.memory_space<vmem>>, vector<1x1x640x128xf32>
    %get3A_4 = vector.shape_cast %get3A_3 : vector<1x1x640x128xf32> to vector<640x128xf32>
    %get3A_5 = arith.constant 1 : index
    %get3A_6 = arith.constant 0 : index
    %get3A_7 = arith.constant 0 : index
    %get3A_8 = arith.constant 0 : index
    %get3A_9 = vector.load %arg1[%get3A_5, %get3A_6, %get3A_7, %get3A_8] : memref<2x3x640x128xf32, #tpu.memory_space<vmem>>, vector<1x1x640x128xf32>
    %get3A_10 = vector.shape_cast %get3A_9 : vector<1x1x640x128xf32> to vector<640x128xf32>
    %add3A = arith.addf %get3A_4, %get3A_10 : vector<640x128xf32>
    %get3A_11 = arith.constant 0 : index
    %get3A_12 = arith.constant 1 : index
    %get3A_13 = arith.constant 0 : index
    %get3A_14 = arith.constant 0 : index
    %get3A_15 = vector.load %arg1[%get3A_11, %get3A_12, %get3A_13, %get3A_14] : memref<2x3x640x128xf32, #tpu.memory_space<vmem>>, vector<1x1x640x128xf32>
    %get3A_16 = vector.shape_cast %get3A_15 : vector<1x1x640x128xf32> to vector<640x128xf32>
    %get3A_17 = arith.constant 1 : index
    %get3A_18 = arith.constant 1 : index
    %get3A_19 = arith.constant 0 : index
    %get3A_20 = arith.constant 0 : index
    %get3A_21 = vector.load %arg1[%get3A_17, %get3A_18, %get3A_19, %get3A_20] : memref<2x3x640x128xf32, #tpu.memory_space<vmem>>, vector<1x1x640x128xf32>
    %get3A_22 = vector.shape_cast %get3A_21 : vector<1x1x640x128xf32> to vector<640x128xf32>
    %add3A_23 = arith.addf %get3A_16, %get3A_22 : vector<640x128xf32>
    %get3A_24 = arith.constant 0 : index
    %get3A_25 = arith.constant 2 : index
    %get3A_26 = arith.constant 0 : index
    %get3A_27 = arith.constant 0 : index
    %get3A_28 = vector.load %arg1[%get3A_24, %get3A_25, %get3A_26, %get3A_27] : memref<2x3x640x128xf32, #tpu.memory_space<vmem>>, vector<1x1x640x128xf32>
    %get3A_29 = vector.shape_cast %get3A_28 : vector<1x1x640x128xf32> to vector<640x128xf32>
    %get3A_30 = arith.constant 1 : index
    %get3A_31 = arith.constant 2 : index
    %get3A_32 = arith.constant 0 : index
    %get3A_33 = arith.constant 0 : index
    %get3A_34 = vector.load %arg1[%get3A_30, %get3A_31, %get3A_32, %get3A_33] : memref<2x3x640x128xf32, #tpu.memory_space<vmem>>, vector<1x1x640x128xf32>
    %get3A_35 = vector.shape_cast %get3A_34 : vector<1x1x640x128xf32> to vector<640x128xf32>
    %add3A_36 = arith.addf %get3A_29, %get3A_35 : vector<640x128xf32>
    %get3A_37 = arith.constant 0 : index
    %get3A_38 = arith.constant 0 : index
    %get3A_39 = arith.constant 0 : index
    %get3A_40 = vector.load %arg2[%get3A_37, %get3A_38, %get3A_39] : memref<2x640x8xf32, #tpu.memory_space<vmem>>, vector<1x640x8xf32>
    %get3A_41 = vector.shape_cast %get3A_40 : vector<1x640x8xf32> to vector<640x8xf32>
    %get3A_42 = arith.constant 1 : index
    %get3A_43 = arith.constant 0 : index
    %get3A_44 = arith.constant 0 : index
    %get3A_45 = vector.load %arg2[%get3A_42, %get3A_43, %get3A_44] : memref<2x640x8xf32, #tpu.memory_space<vmem>>, vector<1x640x8xf32>
    %get3A_46 = vector.shape_cast %get3A_45 : vector<1x640x8xf32> to vector<640x8xf32>
    %add3A_47 = arith.addf %get3A_41, %get3A_46 : vector<640x8xf32>
    %get3A_48 = arith.constant 0 : index
    %get3A_49 = arith.constant 0 : index
    %get3A_50 = arith.constant 0 : index
    %get3A_51 = vector.load %arg7[%get3A_48, %get3A_49, %get3A_50] : memref<2x128x128xf32, #tpu.memory_space<vmem>>, vector<1x128x128xf32>
    %get3A_52 = vector.shape_cast %get3A_51 : vector<1x128x128xf32> to vector<128x128xf32>
    %get3A_53 = arith.constant 1 : index
    %get3A_54 = arith.constant 0 : index
    %get3A_55 = arith.constant 0 : index
    %get3A_56 = vector.load %arg7[%get3A_53, %get3A_54, %get3A_55] : memref<2x128x128xf32, #tpu.memory_space<vmem>>, vector<1x128x128xf32>
    %get3A_57 = vector.shape_cast %get3A_56 : vector<1x128x128xf32> to vector<128x128xf32>
    %get3A_58 = arith.constant 0 : index
    %get3A_59 = arith.constant 0 : index
    %get3A_60 = memref.load %arg9[%get3A_58, %get3A_59] : memref<3x2xf32, #tpu.memory_space<smem>>
    %mul3A = vector.broadcast %get3A_60 : f32 to vector<128x128xf32>
    %mul3A_61 = arith.mulf %mul3A, %get3A_52 : vector<128x128xf32>
    %get3A_62 = arith.constant 0 : index
    %get3A_63 = arith.constant 1 : index
    %get3A_64 = memref.load %arg9[%get3A_62, %get3A_63] : memref<3x2xf32, #tpu.memory_space<smem>>
    %mul3A_65 = vector.broadcast %get3A_64 : f32 to vector<128x128xf32>
    %mul3A_66 = arith.mulf %mul3A_65, %get3A_57 : vector<128x128xf32>
    %add3A_67 = arith.addf %mul3A_61, %mul3A_66 : vector<128x128xf32>
    %get3A_68 = arith.constant 1 : index
    %get3A_69 = arith.constant 0 : index
    %get3A_70 = memref.load %arg9[%get3A_68, %get3A_69] : memref<3x2xf32, #tpu.memory_space<smem>>
    %mul3A_71 = vector.broadcast %get3A_70 : f32 to vector<128x128xf32>
    %mul3A_72 = arith.mulf %mul3A_71, %get3A_52 : vector<128x128xf32>
    %get3A_73 = arith.constant 1 : index
    %get3A_74 = arith.constant 1 : index
    %get3A_75 = memref.load %arg9[%get3A_73, %get3A_74] : memref<3x2xf32, #tpu.memory_space<smem>>
    %mul3A_76 = vector.broadcast %get3A_75 : f32 to vector<128x128xf32>
    %mul3A_77 = arith.mulf %mul3A_76, %get3A_57 : vector<128x128xf32>
    %add3A_78 = arith.addf %mul3A_72, %mul3A_77 : vector<128x128xf32>
    %get3A_79 = arith.constant 2 : index
    %get3A_80 = arith.constant 0 : index
    %get3A_81 = memref.load %arg9[%get3A_79, %get3A_80] : memref<3x2xf32, #tpu.memory_space<smem>>
    %mul3A_82 = vector.broadcast %get3A_81 : f32 to vector<128x128xf32>
    %mul3A_83 = arith.mulf %mul3A_82, %get3A_52 : vector<128x128xf32>
    %get3A_84 = arith.constant 2 : index
    %get3A_85 = arith.constant 1 : index
    %get3A_86 = memref.load %arg9[%get3A_84, %get3A_85] : memref<3x2xf32, #tpu.memory_space<smem>>
    %mul3A_87 = vector.broadcast %get3A_86 : f32 to vector<128x128xf32>
    %mul3A_88 = arith.mulf %mul3A_87, %get3A_57 : vector<128x128xf32>
    %add3A_89 = arith.addf %mul3A_83, %mul3A_88 : vector<128x128xf32>
    %get3A_90 = arith.constant 0 : index
    %get3A_91 = arith.constant 0 : index
    %get3A_92 = vector.load %arg3[%get3A_90, %get3A_91] : memref<128x128xf32, #tpu.memory_space<vmem>>, vector<128x128xf32>
    %dot_general3A = arith.constant dense<0.000000e+00> : vector<128x128xf32>
    %dot_general3A_93 = tpu.matmul %get3A_92, %add3A_67, %dot_general3A {dimension_numbers = #tpu.dot_dimension_numbers<[1], [0], [0], [1], [0, 0, 1, 1], [], []>, precision = #tpu.contract_precision<fp32>, transpose_lhs_hint = false} : vector<128x128xf32>, vector<128x128xf32>, vector<128x128xf32> -> vector<128x128xf32>
    %get3A_94 = arith.constant 0 : index
    %get3A_95 = arith.constant 0 : index
    %get3A_96 = vector.load %arg4[%get3A_94, %get3A_95] : memref<128x128xf32, #tpu.memory_space<vmem>>, vector<128x128xf32>
    %dot_general3A_97 = arith.constant dense<0.000000e+00> : vector<128x128xf32>
    %dot_general3A_98 = tpu.matmul %get3A_96, %add3A_78, %dot_general3A_97 {dimension_numbers = #tpu.dot_dimension_numbers<[1], [0], [0], [1], [0, 0, 1, 1], [], []>, precision = #tpu.contract_precision<fp32>, transpose_lhs_hint = false} : vector<128x128xf32>, vector<128x128xf32>, vector<128x128xf32> -> vector<128x128xf32>
    %get3A_99 = arith.constant 0 : index
    %get3A_100 = arith.constant 0 : index
    %get3A_101 = vector.load %arg3[%get3A_99, %get3A_100] : memref<128x128xf32, #tpu.memory_space<vmem>>, vector<128x128xf32>
    %dot_general3A_102 = arith.constant dense<0.000000e+00> : vector<128x128xf32>
    %dot_general3A_103 = tpu.matmul %get3A_101, %add3A_89, %dot_general3A_102 {dimension_numbers = #tpu.dot_dimension_numbers<[1], [0], [0], [1], [0, 0, 1, 1], [], []>, precision = #tpu.contract_precision<fp32>, transpose_lhs_hint = false} : vector<128x128xf32>, vector<128x128xf32>, vector<128x128xf32> -> vector<128x128xf32>
    %get3A_104 = arith.constant 0 : index
    %get3A_105 = arith.constant 0 : index
    %get3A_106 = vector.load %arg5[%get3A_104, %get3A_105] : memref<1x128xf32, #tpu.memory_space<vmem>>, vector<1x128xf32>
    %dot_general3A_107 = arith.constant dense<0.000000e+00> : vector<1x128xf32>
    %dot_general3A_108 = tpu.matmul %get3A_106, %add3A_67, %dot_general3A_107 {dimension_numbers = #tpu.dot_dimension_numbers<[1], [0], [0], [1], [0, 0, 1, 1], [], []>, precision = #tpu.contract_precision<fp32>, transpose_lhs_hint = false} : vector<1x128xf32>, vector<128x128xf32>, vector<1x128xf32> -> vector<1x128xf32>
    %get3A_109 = arith.constant 0 : index
    %get3A_110 = arith.constant 0 : index
    %get3A_111 = vector.load %arg6[%get3A_109, %get3A_110] : memref<1x128xf32, #tpu.memory_space<vmem>>, vector<1x128xf32>
    %dot_general3A_112 = arith.constant dense<0.000000e+00> : vector<1x128xf32>
    %dot_general3A_113 = tpu.matmul %get3A_111, %add3A_78, %dot_general3A_112 {dimension_numbers = #tpu.dot_dimension_numbers<[1], [0], [0], [1], [0, 0, 1, 1], [], []>, precision = #tpu.contract_precision<fp32>, transpose_lhs_hint = false} : vector<1x128xf32>, vector<128x128xf32>, vector<1x128xf32> -> vector<1x128xf32>
    %get3A_114 = arith.constant 0 : index
    %get3A_115 = arith.constant 0 : index
    %get3A_116 = vector.load %arg5[%get3A_114, %get3A_115] : memref<1x128xf32, #tpu.memory_space<vmem>>, vector<1x128xf32>
    %dot_general3A_117 = arith.constant dense<0.000000e+00> : vector<1x128xf32>
    %dot_general3A_118 = tpu.matmul %get3A_116, %add3A_89, %dot_general3A_117 {dimension_numbers = #tpu.dot_dimension_numbers<[1], [0], [0], [1], [0, 0, 1, 1], [], []>, precision = #tpu.contract_precision<fp32>, transpose_lhs_hint = false} : vector<1x128xf32>, vector<128x128xf32>, vector<1x128xf32> -> vector<1x128xf32>
    %slice3A = vector.extract_strided_slice %add3A_47 {offsets = [0, 0], sizes = [640, 1], strides = [1, 1]} : vector<640x8xf32> to vector<640x1xf32>
    %slice3A_119 = vector.extract_strided_slice %add3A_47 {offsets = [0, 1], sizes = [640, 1], strides = [1, 1]} : vector<640x8xf32> to vector<640x1xf32>
    %slice3A_120 = vector.extract_strided_slice %add3A_47 {offsets = [0, 2], sizes = [640, 1], strides = [1, 1]} : vector<640x8xf32> to vector<640x1xf32>
    %dot_general3A_121 = arith.constant dense<0.000000e+00> : vector<640x128xf32>
    %dot_general3A_122 = tpu.matmul %add3A, %dot_general3A_93, %dot_general3A_121 {dimension_numbers = #tpu.dot_dimension_numbers<[1], [0], [0], [1], [0, 0, 1, 1], [], []>, precision = #tpu.contract_precision<fp32>, transpose_lhs_hint = false} : vector<640x128xf32>, vector<128x128xf32>, vector<640x128xf32> -> vector<640x128xf32>
    %mul3A_123 = vector.broadcast %slice3A : vector<640x1xf32> to vector<640x128xf32>
    %mul3A_124 = vector.broadcast %dot_general3A_108 : vector<1x128xf32> to vector<640x128xf32>
    %mul3A_125 = arith.mulf %mul3A_123, %mul3A_124 : vector<640x128xf32>
    %add3A_126 = arith.addf %dot_general3A_122, %mul3A_125 : vector<640x128xf32>
    %max3A = arith.constant 1.000000e+00 : f32
    %max3A_127 = vector.broadcast %max3A : f32 to vector<640x1xf32>
    %max3A_128 = arith.maximumf %slice3A, %max3A_127 : vector<640x1xf32>
    %div3A = vector.broadcast %max3A_128 : vector<640x1xf32> to vector<640x128xf32>
    %div3A_129 = arith.divf %add3A_126, %div3A : vector<640x128xf32>
    %dot_general3A_130 = arith.constant dense<0.000000e+00> : vector<640x128xf32>
    %dot_general3A_131 = tpu.matmul %add3A_23, %dot_general3A_98, %dot_general3A_130 {dimension_numbers = #tpu.dot_dimension_numbers<[1], [0], [0], [1], [0, 0, 1, 1], [], []>, precision = #tpu.contract_precision<fp32>, transpose_lhs_hint = false} : vector<640x128xf32>, vector<128x128xf32>, vector<640x128xf32> -> vector<640x128xf32>
    %mul3A_132 = vector.broadcast %slice3A_119 : vector<640x1xf32> to vector<640x128xf32>
    %mul3A_133 = vector.broadcast %dot_general3A_113 : vector<1x128xf32> to vector<640x128xf32>
    %mul3A_134 = arith.mulf %mul3A_132, %mul3A_133 : vector<640x128xf32>
    %add3A_135 = arith.addf %dot_general3A_131, %mul3A_134 : vector<640x128xf32>
    %max3A_136 = arith.constant 1.000000e+00 : f32
    %max3A_137 = vector.broadcast %max3A_136 : f32 to vector<640x1xf32>
    %max3A_138 = arith.maximumf %slice3A_119, %max3A_137 : vector<640x1xf32>
    %div3A_139 = vector.broadcast %max3A_138 : vector<640x1xf32> to vector<640x128xf32>
    %div3A_140 = arith.divf %add3A_135, %div3A_139 : vector<640x128xf32>
    %dot_general3A_141 = arith.constant dense<0.000000e+00> : vector<640x128xf32>
    %dot_general3A_142 = tpu.matmul %add3A_36, %dot_general3A_103, %dot_general3A_141 {dimension_numbers = #tpu.dot_dimension_numbers<[1], [0], [0], [1], [0, 0, 1, 1], [], []>, precision = #tpu.contract_precision<fp32>, transpose_lhs_hint = false} : vector<640x128xf32>, vector<128x128xf32>, vector<640x128xf32> -> vector<640x128xf32>
    %mul3A_143 = vector.broadcast %slice3A_120 : vector<640x1xf32> to vector<640x128xf32>
    %mul3A_144 = vector.broadcast %dot_general3A_118 : vector<1x128xf32> to vector<640x128xf32>
    %mul3A_145 = arith.mulf %mul3A_143, %mul3A_144 : vector<640x128xf32>
    %add3A_146 = arith.addf %dot_general3A_142, %mul3A_145 : vector<640x128xf32>
    %max3A_147 = arith.constant 1.000000e+00 : f32
    %max3A_148 = vector.broadcast %max3A_147 : f32 to vector<640x1xf32>
    %max3A_149 = arith.maximumf %slice3A_120, %max3A_148 : vector<640x1xf32>
    %div3A_150 = vector.broadcast %max3A_149 : vector<640x1xf32> to vector<640x128xf32>
    %div3A_151 = arith.divf %add3A_146, %div3A_150 : vector<640x128xf32>
    %add3A_152 = arith.addf %div3A_140, %div3A_151 : vector<640x128xf32>
    %get3A_153 = arith.constant 0 : index
    %get3A_154 = arith.constant 0 : index
    %get3A_155 = vector.load %arg8[%get3A_153, %get3A_154] : memref<1x128xf32, #tpu.memory_space<vmem>>, vector<1x128xf32>
    %add3A_156 = vector.broadcast %get3A_155 : vector<1x128xf32> to vector<640x128xf32>
    %add3A_157 = arith.addf %div3A_129, %add3A_156 : vector<640x128xf32>
    %max3A_158 = arith.constant 0.000000e+00 : f32
    %max3A_159 = vector.broadcast %max3A_158 : f32 to vector<640x128xf32>
    %max3A_160 = arith.maximumf %add3A_157, %max3A_159 : vector<640x128xf32>
    %swap3A = arith.constant 0 : index
    %swap3A_161 = arith.constant 0 : index
    %swap3A_162 = vector.load %arg11[%swap3A, %swap3A_161] : memref<640x128xf32, #tpu.memory_space<vmem>>, vector<640x128xf32>
    tpu.vector_store %arg11[%swap3A, %swap3A_161], %max3A_160 {strides = array<i32>} : memref<640x128xf32, #tpu.memory_space<vmem>>, vector<640x128xf32>,
    %add3A_163 = vector.broadcast %get3A_155 : vector<1x128xf32> to vector<640x128xf32>
    %add3A_164 = arith.addf %add3A_152, %add3A_163 : vector<640x128xf32>
    %max3A_165 = arith.constant 0.000000e+00 : f32
    %max3A_166 = vector.broadcast %max3A_165 : f32 to vector<640x128xf32>
    %max3A_167 = arith.maximumf %add3A_164, %max3A_166 : vector<640x128xf32>
    %swap3A_168 = arith.constant 0 : index
    %swap3A_169 = arith.constant 0 : index
    %swap3A_170 = vector.load %arg10[%swap3A_168, %swap3A_169] : memref<640x128xf32, #tpu.memory_space<vmem>>, vector<640x128xf32>
    tpu.vector_store %arg10[%swap3A_168, %swap3A_169], %max3A_167 {strides = array<i32>} : memref<640x128xf32, #tpu.memory_space<vmem>>, vector<640x128xf32>,
    return
  }
  func.func @transform_0(%arg0: i32) -> (i32, i32, i32, i32) {
    %c0_i32 = arith.constant 0 : i32
    %c0_i32_0 = arith.constant 0 : i32
    %c0_i32_1 = arith.constant 0 : i32
    %c0_i32_2 = arith.constant 0 : i32
    return %c0_i32, %c0_i32_0, %arg0, %c0_i32_1 : i32, i32, i32, i32
  }
  func.func @transform_1(%arg0: i32) -> (i32, i32, i32) {
    %c0_i32 = arith.constant 0 : i32
    %c0_i32_0 = arith.constant 0 : i32
    %c0_i32_1 = arith.constant 0 : i32
    return %c0_i32, %arg0, %c0_i32_0 : i32, i32, i32
  }
  func.func @transform_2(%arg0: i32) -> (i32, i32) {
    %c0_i32 = arith.constant 0 : i32
    %c0_i32_0 = arith.constant 0 : i32
    %c0_i32_1 = arith.constant 0 : i32
    return %c0_i32, %c0_i32_0 : i32, i32
  }
  func.func @transform_3(%arg0: i32) -> (i32, i32) {
    %c0_i32 = arith.constant 0 : i32
    %c0_i32_0 = arith.constant 0 : i32
    %c0_i32_1 = arith.constant 0 : i32
    return %c0_i32, %c0_i32_0 : i32, i32
  }
  func.func @transform_4(%arg0: i32) -> (i32, i32) {
    %c0_i32 = arith.constant 0 : i32
    %c0_i32_0 = arith.constant 0 : i32
    %c0_i32_1 = arith.constant 0 : i32
    return %c0_i32, %c0_i32_0 : i32, i32
  }
  func.func @transform_5(%arg0: i32) -> (i32, i32) {
    %c0_i32 = arith.constant 0 : i32
    %c0_i32_0 = arith.constant 0 : i32
    %c0_i32_1 = arith.constant 0 : i32
    return %c0_i32, %c0_i32_0 : i32, i32
  }
  func.func @transform_6(%arg0: i32) -> (i32, i32, i32) {
    %c0_i32 = arith.constant 0 : i32
    %c0_i32_0 = arith.constant 0 : i32
    %c0_i32_1 = arith.constant 0 : i32
    %c0_i32_2 = arith.constant 0 : i32
    return %c0_i32, %c0_i32_0, %c0_i32_1 : i32, i32, i32
  }
  func.func @transform_7(%arg0: i32) -> (i32, i32) {
    %c0_i32 = arith.constant 0 : i32
    %c0_i32_0 = arith.constant 0 : i32
    %c0_i32_1 = arith.constant 0 : i32
    return %c0_i32, %c0_i32_0 : i32, i32
  }
  func.func @transform_8(%arg0: i32) -> (i32, i32) {
    %c0_i32 = arith.constant 0 : i32
    %c0_i32_0 = arith.constant 0 : i32
    %c0_i32_1 = arith.constant 0 : i32
    return %c0_i32, %c0_i32_0 : i32, i32
  }
  func.func @transform_9(%arg0: i32) -> (i32, i32) {
    %c0_i32 = arith.constant 0 : i32
    %c0_i32_0 = arith.constant 0 : i32
    return %arg0, %c0_i32 : i32, i32
  }
  func.func @transform_10(%arg0: i32) -> (i32, i32) {
    %c0_i32 = arith.constant 0 : i32
    %c0_i32_0 = arith.constant 0 : i32
    return %arg0, %c0_i32 : i32, i32
  }
}

</mosaic_0001>

<sc_bundles>
// kernel: kernel.4.cloned.1.call-start
scs
__scs_entry_jumppad:
0x0: {  	(pc) =	sbr.rel $0x88, $3  }
0x1: {  	(tag) =	ssettag $0x0;
	lr =	simm.s32 $0x1  }
0x2: {  	[smem:$0x3F95] =	sst lr;
	_ =	strace $0xD0000000  }
0x3: {  	_ = 	snop  }
0x4: {  	_ = 	snop  }
0x5: {  	_ = 	snop  }
0x6: {  	_ = 	snop  }
0x7: {  	_ = 	snop  }
__scs_overlays_trampoline_lowered:
0x8: {  	[smem:$0x3FA4] =	sst s0  }
0x9: {  	[smem:$0x3FA5] =	sst s1  }
0xa: {  	[smem:$0x3FA6] =	sst s2  }
0xb: {  	[smem:$0x3FA7] =	sst s3  }
0xc: {  	[smem:$0x3FA8] =	sst s4  }
0xd: {  	[smem:$0x3FA9] =	sst s5  }
0xe: {  	[smem:$0x3FAA] =	sst s6  }
0xf: {  	[smem:$0x3FAB] =	sst s7  }
0x10: {  	[smem:$0x3FAC] =	sst s8  }
0x11: {  	[smem:$0x3FAD] =	sst s9;
	s0 =	simm.s32 @!p0 $0x0  }
0x12: {  	s1 =	sld [smem:$0x3F93];
	s0 =	simm.s32 @p0 $0x1  }
0x13: {  	[smem:$0x3FAE] =	sst s0;
	s0 =	simm.s32 @!p1 $0x0  }
0x14: {  	s2 =	sld [smem:$0x3F92];
	s0 =	simm.s32 @p1 $0x1  }
0x15: {  	[smem:$0x3FAF] =	sst s0;
	s0 =	simm.s32 @!p2 $0x0  }
0x16: {  	s3 =	sld [smem:$0x3FDB];
	s0 =	simm.s32 @p2 $0x1  }
0x17: {  	s4 =	simm.s32 $0x1BF5;
	[smem:$0x3FB1] =	sst s0  }
0x18: {  	s0 =	sld [smem:$0x3F94];
	_ =	swait.ge [sflag:s4], $0x0  }
0x19: {  	s7 =	sld [smem:$0x3F95]  }
0x1a: {  	s8 =	sadd.s32 $0xFFFFE003, lr  }
0x1b: {  	s9 =	sadd.s32 $0xFFFFFEF7, lr;
	s5 =	simm.s32 $0xFFFFFFFF;
	p2 =	slt.u32 s8, $0xFFFFF086  }
0x1c: {  	p1 =	slt.u32 s9, $0xF7A;
	s5 =	simm.s32 @!p2 $0x0  }
0x1d: {  	s5 =	simm.s32 @p1 $0x1;
	p0 =	seq.s32 s7, s2  }
0x1e: {  	s7 =	smul.u32 @!p0 $0xF7A, s2;
	p2 =	seq.s32 @!p0 s5, $0x0  }
0x1f: {  	s9 =	smul.u32 $0xF7A, s1;
	s8 =	simm.s32 @!p0 $0x1BF5;
	p2 =	por !p2, p0  }
0x20: {  	[sflag:s8] =	ssyncset.s32 @!p0 $0xFFFFF086;
	s6 =	sadd.s32 @!p0 s3, s7;
	s7 =	simm.s32 @!p0 $0x108  }
0x21: {  	s3 =	sadd.s32 s3, s9;
	s6 =	sadd.s32 @!p0 $0x88, s6;
	s7 =	simm.s32 @p2 $0x1082  }
0x22: {  	[simem:s7], [sflag:s8] =	dma.local @!p0 [hbm:s6], $0xF7A  }
0x23: {  	s9 =	sor.u32 $0xD0000000, s2;
	s6 =	simm.s32 $0x108;
	_ =	swait.ge @!p0 [sflag:s8], $0x0  }
0x24: {  	s3 =	sadd.s32 $0x88, s3;
	s6 =	simm.s32 @!p1 $0x1082;
	[sflag:s4] =	ssyncset.s32 $0xFFFFF086  }
0x25: {  	[simem:s6], [sflag:s4] =	dma.local [hbm:s3], $0xF7A  }
0x26: {  	[smem:$0x3F95] =	sst s1;
	(tag) =	ssettag s2;
	_ =	strace s9  }
0x27: {  	s1 =	sld [smem:$0x3FA5]  }
0x28: {  	s2 =	sld [smem:$0x3FA6]  }
0x29: {  	s4 =	sld [smem:$0x3FA8]  }
0x2a: {  	p0 =	seq.s32 s5, $0x0;
	s5 =	sld [smem:$0x3FA9]  }
0x2b: {  	s6 =	sld [smem:$0x3FAA]  }
0x2c: {  	s7 =	sld [smem:$0x3FAB]  }
0x2d: {  	s3 =	simm.s32 $0x108;
	s8 =	sld [smem:$0x3FAC]  }
0x2e: {  	s3 =	simm.s32 @!p0 $0x1082;
	s9 =	sld [smem:$0x3FAD]  }
0x2f: {  	lr =	sadd.s32 s0, s3;
	s0 =	sld [smem:$0x3FA4]  }
0x30: {  	s3 =	sld [smem:$0x3FA7]  }
0x31: {  	[smem:$0x3FB0] =	sst s10  }
0x32: {  	s10 =	sld [smem:$0x3FAE];
	_ =	sdelay $0x3  }
0x33: {  	p0 =	seq.s32 s10, $0x1;
	s10 =	sld [smem:$0x3FB0];
	_ =	sdelay $0x3  }
0x34: {  	[smem:$0x3FB0] =	sst s10  }
0x35: {  	s10 =	sld [smem:$0x3FAF];
	_ =	sdelay $0x3  }
0x36: {  	p1 =	seq.s32 s10, $0x1;
	s10 =	sld [smem:$0x3FB0];
	_ =	sdelay $0x3  }
0x37: {  	[smem:$0x3FB0] =	sst s10  }
0x38: {  	s10 =	sld [smem:$0x3FB1]  }
0x39: {  	_ = 	snop;
	(pc) =	sbr.ind lr, $3  }
0x3a: {  	_ = 	snop  }
0x3b: {  	_ = 	snop  }
0x3c: {  	p2 =	seq.s32 s10, $0x1;
	s10 =	sld [smem:$0x3FB0]  }
0x3d: {  	_ =	shalt  }
0x3e: {  	_ =	shalt  }
0x3f: {  	_ =	shalt  }
0x40: {  	_ =	shalt  }
0x41: {  	_ =	shalt  }
0x42: {  	_ =	shalt  }
0x43: {  	_ =	shalt  }
0x44: {  	_ =	shalt  }
0x45: {  	_ =	shalt  }
0x46: {  	_ =	shalt  }
0x47: {  	_ =	shalt  }
0x48: {  	_ =	shalt  }
0x49: {  	_ =	shalt  }
0x4a: {  	_ =	shalt  }
0x4b: {  	_ =	shalt  }
0x4c: {  	_ =	shalt  }
0x4d: {  	_ =	shalt  }
0x4e: {  	_ =	shalt  }
0x4f: {  	_ =	shalt  }
0x50: {  	_ =	shalt  }
0x51: {  	_ =	shalt  }
0x52: {  	_ =	shalt  }
0x53: {  	_ =	shalt  }
0x54: {  	_ =	shalt  }
0x55: {  	_ =	shalt  }
0x56: {  	_ =	shalt  }
0x57: {  	_ =	shalt  }
0x58: {  	_ =	shalt  }
0x59: {  	_ =	shalt  }
0x5a: {  	_ =	shalt  }
0x5b: {  	_ =	shalt  }
0x5c: {  	_ =	shalt  }
0x5d: {  	_ =	shalt  }
0x5e: {  	_ =	shalt  }
0x5f: {  	_ =	shalt  }
0x60: {  	_ =	shalt  }
0x61: {  	_ =	shalt  }
0x62: {  	_ =	shalt  }
0x63: {  	_ =	shalt  }
0x64: {  	_ =	shalt  }
0x65: {  	_ =	shalt  }
0x66: {  	_ =	shalt  }
0x67: {  	_ =	shalt  }
0x68: {  	_ =	shalt  }
0x69: {  	_ =	shalt  }
0x6a: {  	_ =	shalt  }
0x6b: {  	_ =	shalt  }
0x6c: {  	_ =	shalt  }
0x6d: {  	_ =	shalt  }
0x6e: {  	_ =	shalt  }
0x6f: {  	_ =	shalt  }
0x70: {  	_ =	shalt  }
0x71: {  	_ =	shalt  }
0x72: {  	_ =	shalt  }
0x73: {  	_ =	shalt  }
0x74: {  	_ =	shalt  }
0x75: {  	_ =	shalt  }
0x76: {  	_ =	shalt  }
0x77: {  	_ =	shalt  }
0x78: {  	_ =	shalt  }
0x79: {  	_ =	shalt  }
0x7a: {  	_ =	shalt  }
0x7b: {  	_ =	shalt  }
0x7c: {  	_ =	shalt  }
0x7d: {  	_ =	shalt  }
0x7e: {  	_ =	shalt  }
0x7f: {  	_ =	shalt  }
0x80: {  	_ =	shalt  }
0x81: {  	_ =	shalt  }
0x82: {  	_ =	shalt  }
0x83: {  	_ =	shalt  }
0x84: {  	_ =	shalt  }
0x85: {  	_ =	shalt  }
0x86: {  	_ =	shalt  }
0x87: {  	_ =	shalt  }
.Lfunc_end0:
.L_simem_size_0:
called_computation_lowered:
.L_overlay_start_0:
0x88: {  	s2 =	sld [smem:$0x3FD9]  }
0x89: {  	s3 =	sld [smem:$0x3FFE];
	_ =	sdelay $0x1  }
0x8a: {  	s1 =	srdreg.scid  }
0x8b: {  	s0 =	sand.u32 $0x1, s1  }
0x8c: {  	s17 =	sshll.u32 s0, $0xA;
	s2 =	sadd.s32 s3, s2  }
0x8d: {  	s2 =	sadd.s32 s2, s17  }
0x8e: {  	[smem:$0x3FBC] =	sst s2  }
0x8f: {  	_ = 	snop  }
0x90: {  	s2 =	sld [smem:$0x3FD0];
	(tm) =	ssettm $0x1  }
0x91: {  	s18 =	sld [smem:$0x3FFB];
	_ =	sdelay $0x3  }
0x92: {  	_ =	strace s18  }
0x93: {  	s3 =	sld [smem:$0x3FFC];
	_ =	sdelay $0x3  }
0x94: {  	_ =	strace s3  }
0x95: {  	s3 =	sld [smem:$0x3FFD];
	_ =	sdelay $0x3  }
0x96: {  	_ =	strace s3  }
0x97: {  	_ =	strace $0x8FFFFFFF  }
0x98: {  	s19 =	sld [smem:$0x3FDB];
	_ =	sdelay $0x1  }
0x99: {  	s4 =	simm.s32 $_scs_section_size  }
0x9a: {  	s5 =	simm.s32 $_size__tile_overlayer_lowered;
	s6 =	simm.s32 $_tile_overlayer_lowered  }
0x9b: {  	s22 =	simm.s32 $0x1BFF;
	s21 =	sshll.u32 s6, $0x1;
	s3 =	sadd.s32 s4, s19  }
0x9c: {  	s7 =	simm.s32 $0x0;
	s20 =	sshll.u32 s5, $0x1;
	s5 =	sadd.s32 s21, s3  }
0x9d: {  	[timem:s7], [sflag:s22] =	dma.local [hbm:s5], s20  }
0x9e: {  	_ =	swait.ge [sflag:s22], s20  }
0x9f: {  	s4 =	ssub.s32 $0x0, s20;
	[sflag:s22] =	ssyncset.done $0x0  }
0xa0: {  	[sflag:s22] =	ssyncadd.s32 s4;
	_ =	sdelay $0x1  }
0xa1: {  	s23 =	simm.s32 $0x1B8B  }
0xa2: {  	_ =	swait.ge [sflag:s23], $0x1  }
0xa3: {  	[sflag:s23] =	ssyncset.done $0x0  }
0xa4: {  	s25 =	simm.s32 $0x1B8E;
	s24 =	sld [smem:$0x3FFE];
	[sflag:s23] =	ssyncadd.s32 $0xFFFFFFFF  }
0xa5: {  	s26 =	simm.s32 $execute0_lowered;
	[smem:$0x3FD2] =	sst s25  }
0xa6: {  	s5 =	sshll.u32 s26, $0x1;
	_ =	strace $0x80000046;
	[dreg:$0x1] =	wrdreg $0xFFFFFFFF  }
0xa7: {  	s28 =	simm.s32 $_size_execute0_lowered;
	s3 =	sadd.s32 s3, s5;
	[dreg:$0x0] =	wrdreg $0x0  }
0xa8: {  	s5 =	sshll.u32 s28, $0x1;
	[dreg:$0x2] =	wrdreg s3  }
0xa9: {  	[dreg:$0x3] =	wrdreg s5  }
0xaa: {  	[dreg:$0x4] =	wrdreg $0xC0  }
0xab: {  	_ =	task [dreg:s7], $0x5FFFF  }
0xac: {  	[dreg:$0x1] =	wrdreg $0xFFFFFFFF  }
0xad: {  	[dreg:$0x0] =	wrdreg $0x60  }
0xae: {  	[dreg:$0x2] =	wrdreg s24  }
0xaf: {  	[dreg:$0x3] =	wrdreg s2  }
0xb0: {  	[dreg:$0x4] =	wrdreg $0x0  }
0xb1: {  	[dreg:$0x5] =	wrdreg $0xA0000  }
0xb2: {  	[dreg:$0x6] =	wrdreg $0x9  }
0xb3: {  	_ =	task.clear_ibuf [dreg:s7], $0x7FFFF;
	_ =	strace $0x90000046  }
0xb4: {  	s29 =	simm.s32 $0x9;
	_ =	strace $0x80000048  }
0xb5: {  	_ =	swait.ge [sflag:s29], $0x1  }
0xb6: {  	[sflag:s29] =	ssyncadd.s32 $0xFFFFFFFF  }
0xb7: {  	_ =	strace $0x90000048  }
0xb8: {  	_ =	sfence  }
0xb9: {  	s30 =	sld [smem:$0x0];
	_ =	sdelay $0x2  }
0xba: {  	s31 =	sshll.u32 s1, $0xD;
	s1 =	sshrl.u32 s1, $0x2  }
0xbb: {  	s3 =	sand.u32 $0x4000, s31;
	s1 =	sadd.s32 s1, s30  }
0xbc: {  	s0 =	sor.u32 s3, s0;
	s1 =	sshll.u32 s1, $0x11  }
0xbd: {  	s0 =	sor.u32 s1, s0  }
0xbe: {  	s0 =	sadd.s32 $0x8F2B, s0  }
0xbf: {  	[sflag:s0] =	ssyncadd.remote.s32 $0x1  }
0xc0: {  	_ =	sfence.sel $0xFFFF  }
0xc1: {  	[dreg:$0x0] =	wrdreg $0xFFFFFFFF;
	(pc) =	sbr.abs _section_cstart, $3  }
0xc2: {  	[dreg:$0x1] =	wrdreg $0xFFFFFFFF  }
0xc3: {  	_ =	task.clear_ibuf [dreg:s7], $0x2FFFF;
	_ =	strace $0x9FFFFFFF  }
0xc4: {  	(tm) =	ssettm $0x7FFFFFFF  }
0xc5: {  	_ =	shalt  }
tec
execute0_lowered:
.L_overlay_start_1:
0x0: {  	(tag) =	ssettag $0x1  }
0x1: {  	s0 =	rddreg [dreg:$0x0]  }
0x2: {  	s2 =	rddreg [dreg:$0x2]  }
0x3: {  	s3 =	rddreg [dreg:$0x3];
	s1 =	simm.s32 $0x0;
	s6 =	srdreg.scid  }
0x4: {  	s21 =	stileid.u32;
	s28 =	simm.s32 $0x80;
	s29 =	simm.s32 $0xCA00  }
0x5: {  	s30 =	simm.s32 $0x1;
	s31 =	simm.s32 $0x10A00;
	[smem:$0x7FF] =	sst s1  }
0x6: {  	s4 =	sadd.s32 $0xC800, s0;
	s5 =	sadd.s32 $0x800, s0;
	s7 =	sadd.s32 $0x49E00, s0  }
0x7: {  	s6 =	sand.u32 $0x1, s6;
	s8 =	sadd.s32 $0x48A00, s0;
	s9 =	sadd.s32 $0x47200, s0  }
0x8: {  	s12 =	smul.u32 $0x28000, s21;
	s10 =	sadd.s32 $0x72600, s0;
	s24 =	sshll.u32 s21, $0x6  }
0x9: {  	s18 =	sor.u32 $0x10, s21;
	s25 =	sshll.u32 s21, $0xE;
	s15 =	sshll.u32 s21, $0xA  }
0xa: {  	s17 =	sshll.u32 s21, $0xB;
	s26 =	smul.u32 $0x1400, s21;
	_ =	strace $0x80000047  }
0xb: {  	[dreg:$0x6] =	wrdreg s8;
	s20 =	smul.u32 $0x14000, s6;
	s11 =	ssub.s32 $0x2, s6  }
0xc: {  	s13 =	sshll.u32 s18, $0xE;
	s16 =	sshll.u32 s6, $0x9;
	s18 =	sshll.u32 s18, $0xB  }
0xd: {  	s22 =	sshrl.u32 s11, $0x1;
	s23 =	sshrl.u32 s12, $0x2;
	s12 =	sadd.s32 s25, s2  }
0xe: {  	s13 =	sadd.s32 s13, s2;
	s15 =	sor.u32 s16, s15;
	s16 =	smul.u32 $0x1E0000, s6  }
0xf: {  	s25 =	simm.s32 $0xAA00;
	s6 =	simm.s32 $0xC600;
	s0 =	sadd.s32 s20, s0  }
0x10: {  	s8 =	ssub.s32 s11, s22;
	s3 =	sadd.s32 s23, s3;
	s20 =	sor.u32 $0x20, s21  }
0x11: {  	s11 =	sor.u32 $0x1C03, s24;
	s22 =	simm.s32 $0x3;
	s14 =	sshll.u32 s20, $0xE  }
0x12: {  	s19 =	sshll.u32 s20, $0xB;
	s0 =	sadd.s32 $0x4A600, s0;
	s8 =	smax.u32 s8, $0x1  }
0x13: {  	p0 =	sgt.u32 s20, $0x27;
	[dreg:$0x7] =	wrdreg s8;
	s0 =	sadd.s32 s26, s0  }
0x14: {  	s14 =	sadd.s32 s14, s2;
	s8 =	sshrl.u32 s3, $0x3;
	[dreg:$0x9] =	wrdreg s0  }
0x15: {  	s26 =	simm.s32 $0xBA00;
	s0 =	simm.s32 $0x2;
	[dreg:$0x8] =	wrdreg s8  }
.LBB2_1:
0x16: {  	[dreg:$0x5] =	wrdreg s1  }
0x17: {  	s24 =	rddreg [dreg:$0x6]  }
0x18: {  	[spmem:s8], [sflag:s11] =	dma.local [hbm:s24], $0x1400  }
0x19: {  	_ =	swait.ge [sflag:s22], $0x1400  }
0x1a: {  	[sflag:s22] =	ssyncset.done $0x0  }
0x1b: {  	s8 =	simm.s32 $0x0;
	[sflag:s22] =	ssyncadd.s32 $0xFFFFEC00  }
.LBB2_2:
0x1c: {  	s20 =	sshrl.u32 s12, $0x3  }
0x1d: {  	[spmem:s20], [sflag:s11] =	dma.local [hbm:s7], $0x800  }
0x1e: {  	_ =	swait.ge [sflag:s22], $0x800  }
0x1f: {  	[sflag:s22] =	ssyncset.done $0x0  }
0x20: {  	s24 =	sshrl.u32 s13, $0x3;
	[sflag:s22] =	ssyncadd.s32 $0xFFFFF800  }
0x21: {  	[spmem:s24], [sflag:s11] =	dma.local [hbm:s7], $0x800  }
0x22: {  	_ =	swait.ge [sflag:s22], $0x800  }
0x23: {  	[sflag:s22] =	ssyncset.done $0x0  }
0x24: {  	s21 =	sshrl.u32 @!p0 s14, $0x3;
	s3 =	simm.s32 @!p0 $0x3;
	[sflag:s22] =	ssyncadd.s32 $0xFFFFF800  }
0x25: {  	[spmem:s21], [sflag:s11] =	dma.local @!p0 [hbm:s7], $0x800  }
0x26: {  	_ =	swait.ge @!p0 [sflag:s3], $0x800  }
0x27: {  	[sflag:s3] =	ssyncset.done @!p0 $0x0  }
0x28: {  	s1 =	sshll.u32 s8, $0xB;
	s23 =	simm.s32 $0x14A00;
	[sflag:s3] =	ssyncadd.s32 @!p0 $0xFFFFF800  }
0x29: {  	s3 =	sadd.s32 s9, s1;
	s1 =	simm.s32 $0x0;
	[bflag:$0x0] =	sbarrier.arrive $0xFFFF  }
0x2a: {  	[tilespmem:s23], [sflag:$0x3] =	stream.linear.gather [hbm4b:s3+s1], $0x4000, $0x38;
	[tilespmem:$0x18A00] =	vst v63  }
0x2b: {  	_ =	swait.ge [sflag:s22], $0x4000  }
0x2c: {  	[sflag:s22] =	ssyncset.done $0x0  }
0x2d: {  	s23 =	sshll.u32 s8, $0xE;
	[sflag:s22] =	ssyncadd.s32 $0xFFFFC000  }
0x2e: {  	s3 =	sor.u32 s15, s23;
	s23 =	rddreg [dreg:$0x1]  }
0x2f: {  	s23 =	sadd.s32 s23, s3  }
0x30: {  	[tilespmem:s25], [sflag:$0x3] =	stream.linear.gather [hbm4b:s23+s1], $0x1000, $0x38;
	[tilespmem:$0x18A00] =	vst v63  }
0x31: {  	_ =	swait.ge [sflag:s22], $0x1000  }
0x32: {  	[sflag:s22] =	ssyncset.done $0x0  }
0x33: {  	s3 =	sadd.s32 s5, s3;
	[sflag:s22] =	ssyncadd.s32 $0xFFFFF000  }
0x34: {  	[tilespmem:s26], [sflag:$0x3] =	stream.linear.gather [hbm4b:s3+s1], $0x1000, $0x38;
	[tilespmem:$0x18A00] =	vst v63  }
0x35: {  	_ =	swait.ge [sflag:s22], $0x1000  }
0x36: {  	[sflag:s22] =	ssyncset.done $0x0  }
0x37: {  	[sflag:s22] =	ssyncadd.s32 $0xFFFFF000  }
0x38: {  	[tilespmem:s29], [sflag:$0x1] =	stream.indirect.gather [hbm4b:s4+s28], $0x80, s25, s28, $0xb8;
	[tilespmem:$0x18A00] =	vst v63  }
0x39: {  	_ =	swait.ge [sflag:s30], $0x4000  }
0x3a: {  	[sflag:s30] =	ssyncset.done $0x0  }
0x3b: {  	s3 =	simm.s32 $0xAA80;
	[sflag:s30] =	ssyncadd.s32 $0xFFFFC000  }
0x3c: {  	[tilespmem:s31], [sflag:$0x2] =	stream.indirect.gather [hbm4b:s4+s28], $0x80, s3, s28, $0xb8;
	[tilespmem:$0x18A00] =	vst v63  }
0x3d: {  	s23 =	simm.s32 $0xBA00  }
0x3e: {  	[spmem:s2] =	stream.indirect.scatter.add.f32 [tilespmem:s29], [sflag:$0x3], $0x80, s23, s28, $0xb8;
	[tilespmem:$0x18A00] =	vst v63  }
0x3f: {  	_ =	swait.ge [sflag:s22], $0x4000  }
0x40: {  	[sflag:s22] =	ssyncset.done $0x0  }
0x41: {  	[sflag:s22] =	ssyncadd.s32 $0xFFFFC000  }
0x42: {  	_ =	swait.ge [sflag:s0], $0x4000  }
0x43: {  	[sflag:s0] =	ssyncset.done $0x0  }
0x44: {  	s3 =	simm.s32 $0xAB00;
	[sflag:s0] =	ssyncadd.s32 $0xFFFFC000  }
0x45: {  	[tilespmem:s29], [sflag:$0x1] =	stream.indirect.gather [hbm4b:s4+s28], $0x80, s3, s28, $0xb8;
	[tilespmem:$0x18A00] =	vst v63  }
0x46: {  	s23 =	simm.s32 $0xBA80  }
0x47: {  	[spmem:s2] =	stream.indirect.scatter.add.f32 [tilespmem:s31], [sflag:$0x3], $0x80, s23, s28, $0xb8;
	[tilespmem:$0x18A00] =	vst v63  }
0x48: {  	_ =	swait.ge [sflag:s22], $0x4000  }
0x49: {  	s3 =	simm.s32 $0x400;
	[sflag:s22] =	ssyncset.done $0x0  }
.LBB2_3:
0x4a: {  	p1 =	sne.s32 s3, $0x2C00  }
0x4b: {  	[sflag:s22] =	ssyncadd.s32 $0xFFFFC000;
	s1 =	smov.u32 s3;
	s3 =	sadd.s32 $0x400, s3  }
0x4c: {  	_ = 	snop  }
0x4d: {  	_ =	swait.ge [sflag:s30], $0x4000  }
0x4e: {  	s1 =	sshra.s32 s1, $0x2;
	[sflag:s30] =	ssyncset.done $0x0  }
0x4f: {  	s23 =	sadd.s32 $0xAA80, s1;
	[sflag:s30] =	ssyncadd.s32 $0xFFFFC000  }
0x50: {  	[tilespmem:s31], [sflag:$0x2] =	stream.indirect.gather [hbm4b:s4+s28], $0x80, s23, s28, $0xb8;
	[tilespmem:$0x18A00] =	vst v63  }
0x51: {  	s23 =	sadd.s32 $0xBA00, s1  }
0x52: {  	[spmem:s2] =	stream.indirect.scatter.add.f32 [tilespmem:s29], [sflag:$0x3], $0x80, s23, s28, $0xb8;
	[tilespmem:$0x18A00] =	vst v63  }
0x53: {  	_ =	swait.ge [sflag:s22], $0x4000  }
0x54: {  	[sflag:s22] =	ssyncset.done $0x0  }
0x55: {  	[sflag:s22] =	ssyncadd.s32 $0xFFFFC000  }
0x56: {  	_ =	swait.ge [sflag:s0], $0x4000  }
0x57: {  	[sflag:s0] =	ssyncset.done $0x0  }
0x58: {  	s23 =	sadd.s32 $0xAB00, s1;
	[sflag:s0] =	ssyncadd.s32 $0xFFFFC000  }
0x59: {  	[tilespmem:s29], [sflag:$0x1] =	stream.indirect.gather [hbm4b:s4+s28], $0x80, s23, s28, $0xb8;
	[tilespmem:$0x18A00] =	vst v63  }
.Ltmp0:
0x5a: {  	_ = 	snop;
	(pc) =	sbr.rel @p1 .LBB2_3-.Ltmp0, $4  }
0x5b: {  	s1 =	sadd.s32 $0xBA80, s1  }
0x5c: {  	[spmem:s2] =	stream.indirect.scatter.add.f32 [tilespmem:s31], [sflag:$0x3], $0x80, s1, s28, $0xb8;
	[tilespmem:$0x18A00] =	vst v63  }
0x5d: {  	_ =	swait.ge [sflag:s22], $0x4000  }
0x5e: {  	[sflag:s22] =	ssyncset.done $0x0  }
0x5f: {  	[sflag:s22] =	ssyncadd.s32 $0xFFFFC000  }
0x60: {  	_ =	swait.ge [sflag:s30], $0x4000  }
0x61: {  	[sflag:s30] =	ssyncset.done $0x0  }
0x62: {  	s1 =	smul.u32 $0xA0000, s8;
	[sflag:s30] =	ssyncadd.s32 $0xFFFFC000  }
0x63: {  	[spmem:s2] =	stream.indirect.scatter.add.f32 [tilespmem:s29], [sflag:$0x3], $0x80, s6, s28, $0xb8;
	[tilespmem:$0x18A00] =	vst v63  }
0x64: {  	s1 =	sadd.s32 s16, s1;
	_ =	swait.ge [sflag:s22], $0x4000  }
0x65: {  	s1 =	sshrl.u32 s1, $0x3;
	[sflag:s22] =	ssyncset.done $0x0  }
0x66: {  	s1 =	sadd.s32 s10, s1;
	[sflag:s22] =	ssyncadd.s32 $0xFFFFC000  }
0x67: {  	s3 =	sadd.s32 s17, s1;
	[bflag:$0x0] =	sbarrier.arrive $0xFFFF  }
0x68: {  	[hbm:s3], [sflag:s11] =	dma.local [spmem:s20], $0x800  }
0x69: {  	_ =	swait.ge [sflag:s22], $0x800  }
0x6a: {  	[sflag:s22] =	ssyncset.done $0x0  }
0x6b: {  	s23 =	sadd.s32 s18, s1;
	[sflag:s22] =	ssyncadd.s32 $0xFFFFF800  }
0x6c: {  	[hbm:s23], [sflag:s11] =	dma.local [spmem:s24], $0x800  }
0x6d: {  	_ =	swait.ge [sflag:s22], $0x800  }
0x6e: {  	[sflag:s22] =	ssyncset.done $0x0  }
0x6f: {  	s8 =	sadd.s32 $0x1, s8;
	s1 =	sadd.s32 @!p0 s19, s1;
	[sflag:s22] =	ssyncadd.s32 $0xFFFFF800  }
0x70: {  	[hbm:s1], [sflag:s11] =	dma.local @!p0 [spmem:s21], $0x800  }
0x71: {  	p1 =	sne.s32 s8, $0x3;
	s1 =	simm.s32 @!p0 $0x3  }
.Ltmp1:
0x72: {  	_ =	swait.ge @!p0 [sflag:s1], $0x800;
	(pc) =	sbr.rel @p1 .LBB2_2-.Ltmp1, $3  }
0x73: {  	[sflag:s1] =	ssyncset.done @!p0 $0x0  }
0x74: {  	[sflag:s1] =	ssyncadd.s32 @!p0 $0xFFFFF800  }
0x75: {  	[bflag:$0x0] =	sbarrier.arrive $0xFFFF;
	_ =	sdelay $0x1  }
0x76: {  	s8 =	rddreg [dreg:$0x8]  }
0x77: {  	s1 =	rddreg [dreg:$0x9]  }
0x78: {  	[hbm:s1], [sflag:s11] =	dma.local [spmem:s8], $0x1400  }
0x79: {  	_ =	swait.ge [sflag:s22], $0x1400  }
0x7a: {  	s24 =	rddreg [dreg:$0x5]  }
0x7b: {  	s3 =	rddreg [dreg:$0x7];
	s1 =	sadd.s32 $0x1, s24  }
0x7c: {  	p1 =	sne.s32 s1, s3  }
.Ltmp2:
0x7d: {  	_ = 	snop;
	(pc) =	sbr.rel @p1 .LBB2_1-.Ltmp2, $3  }
0x7e: {  	_ =	sdelay $0x1  }
0x7f: {  	[sflag:s22] =	ssyncset.done $0x0  }
0x80: {  	[sflag:s22] =	ssyncadd.s32 $0xFFFFEC00  }
0x81: {  	_ =	sfence.sel $0x180000  }
0x82: {  	[bflag:$0x0] =	sbarrier.arrive $0xFFFF  }
0x83: {  	_ =	strace $0x90000047  }
0x84: {  	s0 =	stileid.u32;
	[bflag:$0x2] =	sbarrier.arrive $0xFFFF  }
0x85: {  	p0 =	sne.s32 s0, $0x0;
	s0 =	rddreg [dreg:$0x4]  }
0x86: {  	s0 =	sadd.s32 @!p0 $0x100000, s0  }
0x87: {  	[sflag:s0] =	ssyncadd.tile.s32 @!p0 $0x1;
	_ =	shalt  }
.Lfunc_end2:
_tile_overlayer_lowered:
.L_overlay_start_2:
0x88: {  	(tag) =	ssettag $0x2  }
0x89: {  	s0 =	rddreg [dreg:$0x0];
	s2 =	stileid.u32  }
0x8a: {  	s1 =	rddreg [dreg:$0x1];
	p0 =	sne.s32 s2, $0x0  }
0x8b: {  	s3 =	rddreg [dreg:$0x2];
	[bflag:$0x3] =	sbarrier.arrive $0xFFFF;
	s2 =	simm.s32 @!p0 $0x1C03  }
0x8c: {  	[timem:s3], [sflag:s2] =	dma.local @!p0 [hbm:s0], s1  }
0x8d: {  	s0 =	simm.s32 @!p0 $0x3  }
0x8e: {  	_ =	swait.ge @!p0 [sflag:s0], s1  }
0x8f: {  	s1 =	ssub.s32 @!p0 $0x0, s1;
	[sflag:s0] =	ssyncset.done @!p0 $0x0  }
0x90: {  	[sflag:s0] =	ssyncadd.s32 @!p0 s1  }
0x91: {  	[bflag:$0x3] =	sbarrier.arrive $0xFFFF  }
0x92: {  	_ =	shalt  }

</sc_bundles>
